<compile_context>
chip_gen: v7x
topology: tpu7x:2x2x1
jax: 0.10.2.dev20260603
libtpu: 0.0.44.dev20260713+nightly
codegen_flags: <defaults>
</compile_context>

<pallas_src>
import functools

import jax
import jax.numpy as jnp
from jax import lax
from jax.experimental import pallas as pl
from jax.experimental.pallas import tpu as pltpu
from jax.experimental.pallas import tpu_sc as plsc

_NC, _NS, _L = 2, 16, 16
_NW = _NC * _NS


def _z2_body(z_ref, d_ref, o_ref):
    o_ref[...] = (z_ref[...] * d_ref[...]).astype(jnp.bfloat16)


def _compute_z2_packed(z, domain_embs):
    V, D = z.shape
    blk = 1000 if V % 1000 == 0 else V
    z2bf = pl.pallas_call(
        _z2_body,
        out_shape=jax.ShapeDtypeStruct((V, D), jnp.bfloat16),
        grid=(V // blk,),
        in_specs=[
            pl.BlockSpec((blk, D), lambda i: (i, 0)),
            pl.BlockSpec((blk, D), lambda i: (i, 0)),
        ],
        out_specs=pl.BlockSpec((blk, D), lambda i: (i, 0)),
    )(z, domain_embs)
    return lax.bitcast_convert_type(z2bf.reshape(V, D // 2, 2), jnp.int32)


def _make_edge_dot(V, D, E):
    N = E // _NW
    C = 80
    NCH = N // C
    G = C // _L
    W = D // 2

    mesh = plsc.VectorSubcoreMesh(core_axis_name="c", subcore_axis_name="s")

    @functools.partial(
        pl.kernel,
        out_type=jax.ShapeDtypeStruct((E,), jnp.float32),
        mesh=mesh,
        compiler_params=pltpu.CompilerParams(
            needs_layout_passes=False, use_tc_tiling_on_sc=False),
        scratch_types=[
            pltpu.VMEM((N,), jnp.int32),
            pltpu.VMEM((N,), jnp.int32),
            pltpu.VMEM((5, C, W), jnp.int32),
            pltpu.VMEM((5, C, W), jnp.int32),
            pltpu.VMEM((N,), jnp.float32),
            pltpu.VMEM((_L * 17,), jnp.float32),
            pltpu.SemaphoreType.DMA,
            pltpu.SemaphoreType.DMA,
            pltpu.SemaphoreType.DMA,
            pltpu.SemaphoreType.DMA,
            pltpu.SemaphoreType.DMA,
            pltpu.SemaphoreType.DMA,
            pltpu.SemaphoreType.DMA,
            pltpu.SemaphoreType.DMA,
            pltpu.SemaphoreType.DMA,
            pltpu.SemaphoreType.DMA,
        ],
    )
    def edge_dot(z2_hbm, src_hbm, dst_hbm, out_hbm,
                 sidx, didx, sbuf, dbuf, obuf, pscr,
                 ss0, sd0, ss1, sd1, ss2, sd2, ss3, sd3, ss4, sd4):
        wid = lax.axis_index("s") * _NC + lax.axis_index("c")
        base = wid * N
        pltpu.sync_copy(src_hbm.at[pl.ds(base, N)], sidx)
        pltpu.sync_copy(dst_hbm.at[pl.ds(base, N)], didx)

        sems = ((ss0, sd0), (ss1, sd1), (ss2, sd2), (ss3, sd3), (ss4, sd4))

        def start(g, slot):
            pltpu.async_copy(z2_hbm.at[sidx.at[pl.ds(g * C, C)]],
                             sbuf.at[slot], sems[slot][0])
            pltpu.async_copy(z2_hbm.at[didx.at[pl.ds(g * C, C)]],
                             dbuf.at[slot], sems[slot][1])

        def wait(slot):
            pltpu.make_async_copy(
                z2_hbm.at[pl.ds(0, C)], sbuf.at[slot], sems[slot][0]).wait()
            pltpu.make_async_copy(
                z2_hbm.at[pl.ds(0, C)], dbuf.at[slot], sems[slot][1]).wait()

        lanes = lax.iota(jnp.int32, _L)
        zero = jnp.zeros((_L,), jnp.int32)
        lanes17 = lanes * 17

        def compute(g, slot):
            sb = sbuf.at[slot]
            db = dbuf.at[slot]

            nk = W // _L

            def load_edge(r):
                return ([sb[r, pl.ds(k * _L, _L)] for k in range(nk)]
                        + [db[r, pl.ds(k * _L, _L)] for k in range(nk)])

            def proc_edge(e, regs):
                prods = []
                for k in range(nk):
                    sw = plsc.bitcast(regs[k], jnp.bfloat16)
                    tw = plsc.bitcast(regs[nk + k], jnp.bfloat16)
                    prods.append(sw * tw)
                ps = []
                for k in range(0, nk, 2):
                    lo, hi = plsc.unpack(
                        prods[k] + prods[k + 1],
                        format=plsc.PackFormat.INTERLEAVED)
                    ps.append(lo + hi)
                p = ps[0]
                for q in ps[1:]:
                    p = p + q
                plsc.store_scatter(pscr, [lanes + e * 17], p)

            def transpose_out(gi):
                r0v = plsc.load_gather(pscr, [lanes17])
                r1v = plsc.load_gather(pscr, [lanes17 + 1])
                for j in range(2, _L, 2):
                    r0v = r0v + plsc.load_gather(pscr, [lanes17 + j])
                    r1v = r1v + plsc.load_gather(pscr, [lanes17 + j + 1])
                obuf[pl.ds(g * C + gi * _L, _L)] = r0v + r1v

            @pl.loop(0, G)
            def _grp(grp):
                @pl.when(grp > 0)
                def _prev():
                    transpose_out(grp - 1)

                r0 = grp * _L
                regs0 = load_edge(r0)
                regs1 = load_edge(r0 + 1)
                for e in range(_L):
                    nxt = load_edge(r0 + e + 2) if e + 2 < _L else None
                    proc_edge(e, regs0)
                    regs0, regs1 = regs1, nxt

            transpose_out(G - 1)

        for b in range(5):
            start(b, b)

        @pl.loop(0, NCH // 5 - 1)
        def _main(i):
            g0 = 5 * i
            for b in range(5):
                wait(b)
                start(g0 + b + 5, b)

        for b in range(5):
            wait(b)
        pltpu.sync_copy(obuf, out_hbm.at[pl.ds(base, N)])

    return edge_dot


def kernel(z, edge_index, domain_embs):
    V, D = z.shape
    E = edge_index.shape[1]
    z2p = _compute_z2_packed(z, domain_embs)
    src = edge_index[0].astype(jnp.int32)
    dst = edge_index[1].astype(jnp.int32)
    return _make_edge_dot(V, D, E)(z2p, src, dst)

# --- scband reference (transcript-rebuilt; emitter-appended) ---
"""Pipeline reference for scband-inner-product-decoder-domain-40303973105805 (READ-ONLY COPY).

The authoritative reference and input builder live on the scoring server;
editing this copy changes nothing except your own understanding.
"""

import jax, jax.numpy as jnp
import numpy as np


def setup_inputs(seed: int = 0) -> dict:
    key = jax.random.key(seed)
    k1, k2, k3 = jax.random.split(key, 3)
    z = jax.random.normal(k1, (10000, 128), dtype=jnp.float32)
    edge_index = jax.random.randint(k2, (2, 320000), 0, 10000, dtype=jnp.int64)
    domain_embs = jax.random.normal(k3, (10000, 128), dtype=jnp.float32)
    return {"z": z, "edge_index": edge_index, "domain_embs": domain_embs}


def reference(z, edge_index, domain_embs):
    # z = z * domain_embs  (domain_embs provided, not None)
    z = z * domain_embs
    # value = (z[edge_index[0]] * z[edge_index[1]]).sum(dim=1)
    src = jnp.take(z, edge_index[0], axis=0)
    dst = jnp.take(z, edge_index[1], axis=0)
    value = jnp.sum(src * dst, axis=1)
    # sigmoid=False (default)
    return value

if __name__ == "__main__":
    import jax
    _d = setup_inputs()
    print(jax.jit(kernel)(*tuple(_d.values())))

</pallas_src>

<mosaic_0001>
#map = affine_map<(d0, d1) -> (0, 0)>
#map1 = affine_map<(d0, d1) -> (0)>
module attributes {stable_mosaic.version = 14 : i64} {
  func.func @edge_dot(%arg0: i32, %arg1: i32, %arg2: memref<10000x64xi32, #tpu.memory_space<hbm>>, %arg3: memref<320000xi32, #tpu.memory_space<hbm>>, %arg4: memref<320000xi32, #tpu.memory_space<hbm>>, %arg5: memref<320000xf32, #tpu.memory_space<hbm>>, %arg6: memref<10000xi32, #tpu.memory_space<vmem>>, %arg7: memref<10000xi32, #tpu.memory_space<vmem>>, %arg8: memref<5x80x64xi32, #tpu.memory_space<vmem>>, %arg9: memref<5x80x64xi32, #tpu.memory_space<vmem>>, %arg10: memref<10000xf32, #tpu.memory_space<vmem>>, %arg11: memref<272xf32, #tpu.memory_space<vmem>>, %arg12: memref<!tpu.dma_semaphore, #tpu.memory_space<semaphore_mem>>, %arg13: memref<!tpu.dma_semaphore, #tpu.memory_space<semaphore_mem>>, %arg14: memref<!tpu.dma_semaphore, #tpu.memory_space<semaphore_mem>>, %arg15: memref<!tpu.dma_semaphore, #tpu.memory_space<semaphore_mem>>, %arg16: memref<!tpu.dma_semaphore, #tpu.memory_space<semaphore_mem>>, %arg17: memref<!tpu.dma_semaphore, #tpu.memory_space<semaphore_mem>>, %arg18: memref<!tpu.dma_semaphore, #tpu.memory_space<semaphore_mem>>, %arg19: memref<!tpu.dma_semaphore, #tpu.memory_space<semaphore_mem>>, %arg20: memref<!tpu.dma_semaphore, #tpu.memory_space<semaphore_mem>>, %arg21: memref<!tpu.dma_semaphore, #tpu.memory_space<semaphore_mem>>) attributes {dimension_semantics = [#tpu.dimension_semantics<core_parallel>, #tpu.dimension_semantics<subcore_parallel>], iteration_bounds = array<i64: 2, 16>, scalar_prefetch = 0 : i64, scratch_operands = 16 : i64, tpu.core_type = #tpu.core_type<sc_vector_subcore>, window_params = [{transform_indices = #map}, {transform_indices = #map1}, {transform_indices = #map1}, {transform_indices = #map1}]} {
    %mul3A = arith.constant 2 : i32
    %mul3A_0 = arith.muli %arg1, %mul3A : i32
    %add3A = arith.addi %mul3A_0, %arg0 : i32
    %mul3A_1 = arith.constant 10000 : i32
    %mul3A_2 = arith.muli %add3A, %mul3A_1 : i32
    "tpu.region"() ({
      %run_scoped3A = tpu.sem_alloc : memref<!tpu.dma_semaphore, #tpu.memory_space<semaphore_mem>>
      %dma_start3A_259 = tpu.memref_slice %arg3[%mul3A_2] : memref<320000xi32, #tpu.memory_space<hbm>> -> memref<10000xi32, #tpu.memory_space<hbm>>
      %dma_start3A_260 = tpu.memref_slice %arg3[%mul3A_2] : memref<320000xi32, #tpu.memory_space<hbm>> -> memref<10000xi32, #tpu.memory_space<hbm>>
      tpu.enqueue_dma source(%dma_start3A_260 : memref<10000xi32, #tpu.memory_space<hbm>>) target(%arg6 : memref<10000xi32, #tpu.memory_space<vmem>>) target_semaphore(%run_scoped3A : memref<!tpu.dma_semaphore, #tpu.memory_space<semaphore_mem>>)
      %dma_wait3A_261 = tpu.memref_slice %arg3[%mul3A_2] : memref<320000xi32, #tpu.memory_space<hbm>> -> memref<10000xi32, #tpu.memory_space<hbm>>
      %dma_wait3A_262 = tpu.memref_slice %arg3[%mul3A_2] : memref<320000xi32, #tpu.memory_space<hbm>> -> memref<10000xi32, #tpu.memory_space<hbm>>
      tpu.wait_dma2 semaphore(%run_scoped3A : memref<!tpu.dma_semaphore, #tpu.memory_space<semaphore_mem>>) src(%dma_wait3A_262 : memref<10000xi32, #tpu.memory_space<hbm>>) dst(%arg6 : memref<10000xi32, #tpu.memory_space<vmem>>)
      tpu.yield
    }) : () -> ()
    "tpu.region"() ({
      %run_scoped3A = tpu.sem_alloc : memref<!tpu.dma_semaphore, #tpu.memory_space<semaphore_mem>>
      %dma_start3A_259 = tpu.memref_slice %arg4[%mul3A_2] : memref<320000xi32, #tpu.memory_space<hbm>> -> memref<10000xi32, #tpu.memory_space<hbm>>
      %dma_start3A_260 = tpu.memref_slice %arg4[%mul3A_2] : memref<320000xi32, #tpu.memory_space<hbm>> -> memref<10000xi32, #tpu.memory_space<hbm>>
      tpu.enqueue_dma source(%dma_start3A_260 : memref<10000xi32, #tpu.memory_space<hbm>>) target(%arg7 : memref<10000xi32, #tpu.memory_space<vmem>>) target_semaphore(%run_scoped3A : memref<!tpu.dma_semaphore, #tpu.memory_space<semaphore_mem>>)
      %dma_wait3A_261 = tpu.memref_slice %arg4[%mul3A_2] : memref<320000xi32, #tpu.memory_space<hbm>> -> memref<10000xi32, #tpu.memory_space<hbm>>
      %dma_wait3A_262 = tpu.memref_slice %arg4[%mul3A_2] : memref<320000xi32, #tpu.memory_space<hbm>> -> memref<10000xi32, #tpu.memory_space<hbm>>
      tpu.wait_dma2 semaphore(%run_scoped3A : memref<!tpu.dma_semaphore, #tpu.memory_space<semaphore_mem>>) src(%dma_wait3A_262 : memref<10000xi32, #tpu.memory_space<hbm>>) dst(%arg7 : memref<10000xi32, #tpu.memory_space<vmem>>)
      tpu.yield
    }) : () -> ()
    %iota3A = tpu.iota {dimensions = array<i32: 0>} : vector<16xi32>
    %broadcast_in_dim3A = arith.constant 0 : i32
    %broadcast_in_dim3A_3 = vector.broadcast %broadcast_in_dim3A : i32 to vector<16xi32>
    %mul3A_4 = arith.constant 17 : i32
    %mul3A_5 = vector.broadcast %mul3A_4 : i32 to vector<16xi32>
    %mul3A_6 = arith.muli %iota3A, %mul3A_5 : vector<16xi32>
    %dma_start3A = arith.constant 0 : i32
    %dma_start3A_7 = arith.constant 0 : i32
    %dma_start3A_8 = arith.constant 0 : i32
    %dma_start3A_9 = tpu.memref_slice %arg8[%dma_start3A, %dma_start3A_7, %dma_start3A_8] : memref<5x80x64xi32, #tpu.memory_space<vmem>> -> memref<1x80x64xi32, #tpu.memory_space<vmem>>
    %dma_start3A_10 = tpu.memref_squeeze %dma_start3A_9 : memref<1x80x64xi32, #tpu.memory_space<vmem>> -> memref<80x64xi32, #tpu.memory_space<vmem>>
    %dma_start3A_11 = arith.constant 0 : i32
    %dma_start3A_12 = tpu.memref_slice %arg6[%dma_start3A_11] : memref<10000xi32, #tpu.memory_space<vmem>> -> memref<80xi32, #tpu.memory_space<vmem>>
    %dma_start3A_13 = arith.constant 0 : i32
    %dma_start3A_14 = arith.constant 0 : i32
    %dma_start3A_15 = tpu.memref_slice %arg2[%dma_start3A_13, %dma_start3A_14] : memref<10000x64xi32, #tpu.memory_space<hbm>> -> memref<10000x64xi32, #tpu.memory_space<hbm>>
    tpu.enqueue_indirect_dma source(%dma_start3A_15 : memref<10000x64xi32, #tpu.memory_space<hbm>>) target(%dma_start3A_10 : memref<80x64xi32, #tpu.memory_space<vmem>>) offsets(%dma_start3A_12 : memref<80xi32, #tpu.memory_space<vmem>>) semaphore(%arg12 : memref<!tpu.dma_semaphore, #tpu.memory_space<semaphore_mem>>)
    %dma_start3A_16 = arith.constant 0 : i32
    %dma_start3A_17 = arith.constant 0 : i32
    %dma_start3A_18 = arith.constant 0 : i32
    %dma_start3A_19 = tpu.memref_slice %arg9[%dma_start3A_16, %dma_start3A_17, %dma_start3A_18] : memref<5x80x64xi32, #tpu.memory_space<vmem>> -> memref<1x80x64xi32, #tpu.memory_space<vmem>>
    %dma_start3A_20 = tpu.memref_squeeze %dma_start3A_19 : memref<1x80x64xi32, #tpu.memory_space<vmem>> -> memref<80x64xi32, #tpu.memory_space<vmem>>
    %dma_start3A_21 = arith.constant 0 : i32
    %dma_start3A_22 = tpu.memref_slice %arg7[%dma_start3A_21] : memref<10000xi32, #tpu.memory_space<vmem>> -> memref<80xi32, #tpu.memory_space<vmem>>
    %dma_start3A_23 = arith.constant 0 : i32
    %dma_start3A_24 = arith.constant 0 : i32
    %dma_start3A_25 = tpu.memref_slice %arg2[%dma_start3A_23, %dma_start3A_24] : memref<10000x64xi32, #tpu.memory_space<hbm>> -> memref<10000x64xi32, #tpu.memory_space<hbm>>
    tpu.enqueue_indirect_dma source(%dma_start3A_25 : memref<10000x64xi32, #tpu.memory_space<hbm>>) target(%dma_start3A_20 : memref<80x64xi32, #tpu.memory_space<vmem>>) offsets(%dma_start3A_22 : memref<80xi32, #tpu.memory_space<vmem>>) semaphore(%arg13 : memref<!tpu.dma_semaphore, #tpu.memory_space<semaphore_mem>>)
    %dma_start3A_26 = arith.constant 1 : i32
    %dma_start3A_27 = arith.constant 0 : i32
    %dma_start3A_28 = arith.constant 0 : i32
    %dma_start3A_29 = tpu.memref_slice %arg8[%dma_start3A_26, %dma_start3A_27, %dma_start3A_28] : memref<5x80x64xi32, #tpu.memory_space<vmem>> -> memref<1x80x64xi32, #tpu.memory_space<vmem>>
    %dma_start3A_30 = tpu.memref_squeeze %dma_start3A_29 : memref<1x80x64xi32, #tpu.memory_space<vmem>> -> memref<80x64xi32, #tpu.memory_space<vmem>>
    %dma_start3A_31 = arith.constant 80 : i32
    %dma_start3A_32 = tpu.memref_slice %arg6[%dma_start3A_31] : memref<10000xi32, #tpu.memory_space<vmem>> -> memref<80xi32, #tpu.memory_space<vmem>>
    %dma_start3A_33 = arith.constant 0 : i32
    %dma_start3A_34 = arith.constant 0 : i32
    %dma_start3A_35 = tpu.memref_slice %arg2[%dma_start3A_33, %dma_start3A_34] : memref<10000x64xi32, #tpu.memory_space<hbm>> -> memref<10000x64xi32, #tpu.memory_space<hbm>>
    tpu.enqueue_indirect_dma source(%dma_start3A_35 : memref<10000x64xi32, #tpu.memory_space<hbm>>) target(%dma_start3A_30 : memref<80x64xi32, #tpu.memory_space<vmem>>) offsets(%dma_start3A_32 : memref<80xi32, #tpu.memory_space<vmem>>) semaphore(%arg14 : memref<!tpu.dma_semaphore, #tpu.memory_space<semaphore_mem>>)
    %dma_start3A_36 = arith.constant 1 : i32
    %dma_start3A_37 = arith.constant 0 : i32
    %dma_start3A_38 = arith.constant 0 : i32
    %dma_start3A_39 = tpu.memref_slice %arg9[%dma_start3A_36, %dma_start3A_37, %dma_start3A_38] : memref<5x80x64xi32, #tpu.memory_space<vmem>> -> memref<1x80x64xi32, #tpu.memory_space<vmem>>
    %dma_start3A_40 = tpu.memref_squeeze %dma_start3A_39 : memref<1x80x64xi32, #tpu.memory_space<vmem>> -> memref<80x64xi32, #tpu.memory_space<vmem>>
    %dma_start3A_41 = arith.constant 80 : i32
    %dma_start3A_42 = tpu.memref_slice %arg7[%dma_start3A_41] : memref<10000xi32, #tpu.memory_space<vmem>> -> memref<80xi32, #tpu.memory_space<vmem>>
    %dma_start3A_43 = arith.constant 0 : i32
    %dma_start3A_44 = arith.constant 0 : i32
    %dma_start3A_45 = tpu.memref_slice %arg2[%dma_start3A_43, %dma_start3A_44] : memref<10000x64xi32, #tpu.memory_space<hbm>> -> memref<10000x64xi32, #tpu.memory_space<hbm>>
    tpu.enqueue_indirect_dma source(%dma_start3A_45 : memref<10000x64xi32, #tpu.memory_space<hbm>>) target(%dma_start3A_40 : memref<80x64xi32, #tpu.memory_space<vmem>>) offsets(%dma_start3A_42 : memref<80xi32, #tpu.memory_space<vmem>>) semaphore(%arg15 : memref<!tpu.dma_semaphore, #tpu.memory_space<semaphore_mem>>)
    %dma_start3A_46 = arith.constant 2 : i32
    %dma_start3A_47 = arith.constant 0 : i32
    %dma_start3A_48 = arith.constant 0 : i32
    %dma_start3A_49 = tpu.memref_slice %arg8[%dma_start3A_46, %dma_start3A_47, %dma_start3A_48] : memref<5x80x64xi32, #tpu.memory_space<vmem>> -> memref<1x80x64xi32, #tpu.memory_space<vmem>>
    %dma_start3A_50 = tpu.memref_squeeze %dma_start3A_49 : memref<1x80x64xi32, #tpu.memory_space<vmem>> -> memref<80x64xi32, #tpu.memory_space<vmem>>
    %dma_start3A_51 = arith.constant 160 : i32
    %dma_start3A_52 = tpu.memref_slice %arg6[%dma_start3A_51] : memref<10000xi32, #tpu.memory_space<vmem>> -> memref<80xi32, #tpu.memory_space<vmem>>
    %dma_start3A_53 = arith.constant 0 : i32
    %dma_start3A_54 = arith.constant 0 : i32
    %dma_start3A_55 = tpu.memref_slice %arg2[%dma_start3A_53, %dma_start3A_54] : memref<10000x64xi32, #tpu.memory_space<hbm>> -> memref<10000x64xi32, #tpu.memory_space<hbm>>
    tpu.enqueue_indirect_dma source(%dma_start3A_55 : memref<10000x64xi32, #tpu.memory_space<hbm>>) target(%dma_start3A_50 : memref<80x64xi32, #tpu.memory_space<vmem>>) offsets(%dma_start3A_52 : memref<80xi32, #tpu.memory_space<vmem>>) semaphore(%arg16 : memref<!tpu.dma_semaphore, #tpu.memory_space<semaphore_mem>>)
    %dma_start3A_56 = arith.constant 2 : i32
    %dma_start3A_57 = arith.constant 0 : i32
    %dma_start3A_58 = arith.constant 0 : i32
    %dma_start3A_59 = tpu.memref_slice %arg9[%dma_start3A_56, %dma_start3A_57, %dma_start3A_58] : memref<5x80x64xi32, #tpu.memory_space<vmem>> -> memref<1x80x64xi32, #tpu.memory_space<vmem>>
    %dma_start3A_60 = tpu.memref_squeeze %dma_start3A_59 : memref<1x80x64xi32, #tpu.memory_space<vmem>> -> memref<80x64xi32, #tpu.memory_space<vmem>>
    %dma_start3A_61 = arith.constant 160 : i32
    %dma_start3A_62 = tpu.memref_slice %arg7[%dma_start3A_61] : memref<10000xi32, #tpu.memory_space<vmem>> -> memref<80xi32, #tpu.memory_space<vmem>>
    %dma_start3A_63 = arith.constant 0 : i32
    %dma_start3A_64 = arith.constant 0 : i32
    %dma_start3A_65 = tpu.memref_slice %arg2[%dma_start3A_63, %dma_start3A_64] : memref<10000x64xi32, #tpu.memory_space<hbm>> -> memref<10000x64xi32, #tpu.memory_space<hbm>>
    tpu.enqueue_indirect_dma source(%dma_start3A_65 : memref<10000x64xi32, #tpu.memory_space<hbm>>) target(%dma_start3A_60 : memref<80x64xi32, #tpu.memory_space<vmem>>) offsets(%dma_start3A_62 : memref<80xi32, #tpu.memory_space<vmem>>) semaphore(%arg17 : memref<!tpu.dma_semaphore, #tpu.memory_space<semaphore_mem>>)
    %dma_start3A_66 = arith.constant 3 : i32
    %dma_start3A_67 = arith.constant 0 : i32
    %dma_start3A_68 = arith.constant 0 : i32
    %dma_start3A_69 = tpu.memref_slice %arg8[%dma_start3A_66, %dma_start3A_67, %dma_start3A_68] : memref<5x80x64xi32, #tpu.memory_space<vmem>> -> memref<1x80x64xi32, #tpu.memory_space<vmem>>
    %dma_start3A_70 = tpu.memref_squeeze %dma_start3A_69 : memref<1x80x64xi32, #tpu.memory_space<vmem>> -> memref<80x64xi32, #tpu.memory_space<vmem>>
    %dma_start3A_71 = arith.constant 240 : i32
    %dma_start3A_72 = tpu.memref_slice %arg6[%dma_start3A_71] : memref<10000xi32, #tpu.memory_space<vmem>> -> memref<80xi32, #tpu.memory_space<vmem>>
    %dma_start3A_73 = arith.constant 0 : i32
    %dma_start3A_74 = arith.constant 0 : i32
    %dma_start3A_75 = tpu.memref_slice %arg2[%dma_start3A_73, %dma_start3A_74] : memref<10000x64xi32, #tpu.memory_space<hbm>> -> memref<10000x64xi32, #tpu.memory_space<hbm>>
    tpu.enqueue_indirect_dma source(%dma_start3A_75 : memref<10000x64xi32, #tpu.memory_space<hbm>>) target(%dma_start3A_70 : memref<80x64xi32, #tpu.memory_space<vmem>>) offsets(%dma_start3A_72 : memref<80xi32, #tpu.memory_space<vmem>>) semaphore(%arg18 : memref<!tpu.dma_semaphore, #tpu.memory_space<semaphore_mem>>)
    %dma_start3A_76 = arith.constant 3 : i32
    %dma_start3A_77 = arith.constant 0 : i32
    %dma_start3A_78 = arith.constant 0 : i32
    %dma_start3A_79 = tpu.memref_slice %arg9[%dma_start3A_76, %dma_start3A_77, %dma_start3A_78] : memref<5x80x64xi32, #tpu.memory_space<vmem>> -> memref<1x80x64xi32, #tpu.memory_space<vmem>>
    %dma_start3A_80 = tpu.memref_squeeze %dma_start3A_79 : memref<1x80x64xi32, #tpu.memory_space<vmem>> -> memref<80x64xi32, #tpu.memory_space<vmem>>
    %dma_start3A_81 = arith.constant 240 : i32
    %dma_start3A_82 = tpu.memref_slice %arg7[%dma_start3A_81] : memref<10000xi32, #tpu.memory_space<vmem>> -> memref<80xi32, #tpu.memory_space<vmem>>
    %dma_start3A_83 = arith.constant 0 : i32
    %dma_start3A_84 = arith.constant 0 : i32
    %dma_start3A_85 = tpu.memref_slice %arg2[%dma_start3A_83, %dma_start3A_84] : memref<10000x64xi32, #tpu.memory_space<hbm>> -> memref<10000x64xi32, #tpu.memory_space<hbm>>
    tpu.enqueue_indirect_dma source(%dma_start3A_85 : memref<10000x64xi32, #tpu.memory_space<hbm>>) target(%dma_start3A_80 : memref<80x64xi32, #tpu.memory_space<vmem>>) offsets(%dma_start3A_82 : memref<80xi32, #tpu.memory_space<vmem>>) semaphore(%arg19 : memref<!tpu.dma_semaphore, #tpu.memory_space<semaphore_mem>>)
    %dma_start3A_86 = arith.constant 4 : i32
    %dma_start3A_87 = arith.constant 0 : i32
    %dma_start3A_88 = arith.constant 0 : i32
    %dma_start3A_89 = tpu.memref_slice %arg8[%dma_start3A_86, %dma_start3A_87, %dma_start3A_88] : memref<5x80x64xi32, #tpu.memory_space<vmem>> -> memref<1x80x64xi32, #tpu.memory_space<vmem>>
    %dma_start3A_90 = tpu.memref_squeeze %dma_start3A_89 : memref<1x80x64xi32, #tpu.memory_space<vmem>> -> memref<80x64xi32, #tpu.memory_space<vmem>>
    %dma_start3A_91 = arith.constant 320 : i32
    %dma_start3A_92 = tpu.memref_slice %arg6[%dma_start3A_91] : memref<10000xi32, #tpu.memory_space<vmem>> -> memref<80xi32, #tpu.memory_space<vmem>>
    %dma_start3A_93 = arith.constant 0 : i32
    %dma_start3A_94 = arith.constant 0 : i32
    %dma_start3A_95 = tpu.memref_slice %arg2[%dma_start3A_93, %dma_start3A_94] : memref<10000x64xi32, #tpu.memory_space<hbm>> -> memref<10000x64xi32, #tpu.memory_space<hbm>>
    tpu.enqueue_indirect_dma source(%dma_start3A_95 : memref<10000x64xi32, #tpu.memory_space<hbm>>) target(%dma_start3A_90 : memref<80x64xi32, #tpu.memory_space<vmem>>) offsets(%dma_start3A_92 : memref<80xi32, #tpu.memory_space<vmem>>) semaphore(%arg20 : memref<!tpu.dma_semaphore, #tpu.memory_space<semaphore_mem>>)
    %dma_start3A_96 = arith.constant 4 : i32
    %dma_start3A_97 = arith.constant 0 : i32
    %dma_start3A_98 = arith.constant 0 : i32
    %dma_start3A_99 = tpu.memref_slice %arg9[%dma_start3A_96, %dma_start3A_97, %dma_start3A_98] : memref<5x80x64xi32, #tpu.memory_space<vmem>> -> memref<1x80x64xi32, #tpu.memory_space<vmem>>
    %dma_start3A_100 = tpu.memref_squeeze %dma_start3A_99 : memref<1x80x64xi32, #tpu.memory_space<vmem>> -> memref<80x64xi32, #tpu.memory_space<vmem>>
    %dma_start3A_101 = arith.constant 320 : i32
    %dma_start3A_102 = tpu.memref_slice %arg7[%dma_start3A_101] : memref<10000xi32, #tpu.memory_space<vmem>> -> memref<80xi32, #tpu.memory_space<vmem>>
    %dma_start3A_103 = arith.constant 0 : i32
    %dma_start3A_104 = arith.constant 0 : i32
    %dma_start3A_105 = tpu.memref_slice %arg2[%dma_start3A_103, %dma_start3A_104] : memref<10000x64xi32, #tpu.memory_space<hbm>> -> memref<10000x64xi32, #tpu.memory_space<hbm>>
    tpu.enqueue_indirect_dma source(%dma_start3A_105 : memref<10000x64xi32, #tpu.memory_space<hbm>>) target(%dma_start3A_100 : memref<80x64xi32, #tpu.memory_space<vmem>>) offsets(%dma_start3A_102 : memref<80xi32, #tpu.memory_space<vmem>>) semaphore(%arg21 : memref<!tpu.dma_semaphore, #tpu.memory_space<semaphore_mem>>)
    %scan3A = arith.constant 0 : i32
    %scan3A_106 = arith.constant 24 : i32
    %scan3A_107 = arith.addi %scan3A, %scan3A_106 : i32
    %scan3A_108 = arith.constant 1 : i32
    scf.for %scan3A_259 = %scan3A to %scan3A_107 step %scan3A_108  : i32 {
      %mul3A_260 = arith.constant 1 : i32
      %mul3A_261 = arith.muli %scan3A_259, %mul3A_260 : i32
      %add3A_262 = arith.constant 0 : i32
      %add3A_263 = arith.addi %add3A_262, %mul3A_261 : i32
      %mul3A_264 = arith.constant 5 : i32
      %mul3A_265 = arith.muli %mul3A_264, %add3A_263 : i32
      %dma_wait3A_266 = arith.constant 0 : i32
      %dma_wait3A_267 = arith.constant 0 : i32
      %dma_wait3A_268 = arith.constant 0 : i32
      %dma_wait3A_269 = tpu.memref_slice %arg8[%dma_wait3A_266, %dma_wait3A_267, %dma_wait3A_268] : memref<5x80x64xi32, #tpu.memory_space<vmem>> -> memref<1x80x64xi32, #tpu.memory_space<vmem>>
      %dma_wait3A_270 = tpu.memref_squeeze %dma_wait3A_269 : memref<1x80x64xi32, #tpu.memory_space<vmem>> -> memref<80x64xi32, #tpu.memory_space<vmem>>
      %dma_wait3A_271 = arith.constant 0 : i32
      %dma_wait3A_272 = arith.constant 0 : i32
      %dma_wait3A_273 = tpu.memref_slice %arg2[%dma_wait3A_271, %dma_wait3A_272] : memref<10000x64xi32, #tpu.memory_space<hbm>> -> memref<80x64xi32, #tpu.memory_space<hbm>>
      %dma_wait3A_274 = arith.constant 0 : i32
      %dma_wait3A_275 = arith.constant 0 : i32
      %dma_wait3A_276 = tpu.memref_slice %arg8[%dma_wait3A_266, %dma_wait3A_274, %dma_wait3A_275] : memref<5x80x64xi32, #tpu.memory_space<vmem>> -> memref<1x80x64xi32, #tpu.memory_space<vmem>>
      %dma_wait3A_277 = tpu.memref_squeeze %dma_wait3A_276 : memref<1x80x64xi32, #tpu.memory_space<vmem>> -> memref<80x64xi32, #tpu.memory_space<vmem>>
      %dma_wait3A_278 = arith.constant 0 : i32
      %dma_wait3A_279 = arith.constant 0 : i32
      %dma_wait3A_280 = tpu.memref_slice %arg2[%dma_wait3A_278, %dma_wait3A_279] : memref<10000x64xi32, #tpu.memory_space<hbm>> -> memref<80x64xi32, #tpu.memory_space<hbm>>
      tpu.wait_dma2 semaphore(%arg12 : memref<!tpu.dma_semaphore, #tpu.memory_space<semaphore_mem>>) src(%dma_wait3A_280 : memref<80x64xi32, #tpu.memory_space<hbm>>) dst(%dma_wait3A_277 : memref<80x64xi32, #tpu.memory_space<vmem>>)
      %dma_wait3A_281 = arith.constant 0 : i32
      %dma_wait3A_282 = arith.constant 0 : i32
      %dma_wait3A_283 = arith.constant 0 : i32
      %dma_wait3A_284 = tpu.memref_slice %arg9[%dma_wait3A_281, %dma_wait3A_282, %dma_wait3A_283] : memref<5x80x64xi32, #tpu.memory_space<vmem>> -> memref<1x80x64xi32, #tpu.memory_space<vmem>>
      %dma_wait3A_285 = tpu.memref_squeeze %dma_wait3A_284 : memref<1x80x64xi32, #tpu.memory_space<vmem>> -> memref<80x64xi32, #tpu.memory_space<vmem>>
      %dma_wait3A_286 = arith.constant 0 : i32
      %dma_wait3A_287 = arith.constant 0 : i32
      %dma_wait3A_288 = tpu.memref_slice %arg2[%dma_wait3A_286, %dma_wait3A_287] : memref<10000x64xi32, #tpu.memory_space<hbm>> -> memref<80x64xi32, #tpu.memory_space<hbm>>
      %dma_wait3A_289 = arith.constant 0 : i32
      %dma_wait3A_290 = arith.constant 0 : i32
      %dma_wait3A_291 = tpu.memref_slice %arg9[%dma_wait3A_281, %dma_wait3A_289, %dma_wait3A_290] : memref<5x80x64xi32, #tpu.memory_space<vmem>> -> memref<1x80x64xi32, #tpu.memory_space<vmem>>
      %dma_wait3A_292 = tpu.memref_squeeze %dma_wait3A_291 : memref<1x80x64xi32, #tpu.memory_space<vmem>> -> memref<80x64xi32, #tpu.memory_space<vmem>>
      %dma_wait3A_293 = arith.constant 0 : i32
      %dma_wait3A_294 = arith.constant 0 : i32
      %dma_wait3A_295 = tpu.memref_slice %arg2[%dma_wait3A_293, %dma_wait3A_294] : memref<10000x64xi32, #tpu.memory_space<hbm>> -> memref<80x64xi32, #tpu.memory_space<hbm>>
      tpu.wait_dma2 semaphore(%arg13 : memref<!tpu.dma_semaphore, #tpu.memory_space<semaphore_mem>>) src(%dma_wait3A_295 : memref<80x64xi32, #tpu.memory_space<hbm>>) dst(%dma_wait3A_292 : memref<80x64xi32, #tpu.memory_space<vmem>>)
      %add3A_296 = arith.constant 0 : i32
      %add3A_297 = arith.addi %mul3A_265, %add3A_296 : i32
      %add3A_298 = arith.constant 5 : i32
      %add3A_299 = arith.addi %add3A_297, %add3A_298 : i32
      %mul3A_300 = arith.constant 80 : i32
      %mul3A_301 = arith.muli %add3A_299, %mul3A_300 : i32
      %dma_start3A_302 = arith.constant 0 : i32
      %dma_start3A_303 = arith.constant 0 : i32
      %dma_start3A_304 = arith.constant 0 : i32
      %dma_start3A_305 = tpu.memref_slice %arg8[%dma_start3A_302, %dma_start3A_303, %dma_start3A_304] : memref<5x80x64xi32, #tpu.memory_space<vmem>> -> memref<1x80x64xi32, #tpu.memory_space<vmem>>
      %dma_start3A_306 = tpu.memref_squeeze %dma_start3A_305 : memref<1x80x64xi32, #tpu.memory_space<vmem>> -> memref<80x64xi32, #tpu.memory_space<vmem>>
      %dma_start3A_307 = tpu.memref_slice %arg6[%mul3A_301] : memref<10000xi32, #tpu.memory_space<vmem>> -> memref<80xi32, #tpu.memory_space<vmem>>
      %dma_start3A_308 = arith.constant 0 : i32
      %dma_start3A_309 = arith.constant 0 : i32
      %dma_start3A_310 = tpu.memref_slice %arg2[%dma_start3A_308, %dma_start3A_309] : memref<10000x64xi32, #tpu.memory_space<hbm>> -> memref<10000x64xi32, #tpu.memory_space<hbm>>
      tpu.enqueue_indirect_dma source(%dma_start3A_310 : memref<10000x64xi32, #tpu.memory_space<hbm>>) target(%dma_start3A_306 : memref<80x64xi32, #tpu.memory_space<vmem>>) offsets(%dma_start3A_307 : memref<80xi32, #tpu.memory_space<vmem>>) semaphore(%arg12 : memref<!tpu.dma_semaphore, #tpu.memory_space<semaphore_mem>>)
      %mul3A_311 = arith.constant 80 : i32
      %mul3A_312 = arith.muli %add3A_299, %mul3A_311 : i32
      %dma_start3A_313 = arith.constant 0 : i32
      %dma_start3A_314 = arith.constant 0 : i32
      %dma_start3A_315 = arith.constant 0 : i32
      %dma_start3A_316 = tpu.memref_slice %arg9[%dma_start3A_313, %dma_start3A_314, %dma_start3A_315] : memref<5x80x64xi32, #tpu.memory_space<vmem>> -> memref<1x80x64xi32, #tpu.memory_space<vmem>>
      %dma_start3A_317 = tpu.memref_squeeze %dma_start3A_316 : memref<1x80x64xi32, #tpu.memory_space<vmem>> -> memref<80x64xi32, #tpu.memory_space<vmem>>
      %dma_start3A_318 = tpu.memref_slice %arg7[%mul3A_312] : memref<10000xi32, #tpu.memory_space<vmem>> -> memref<80xi32, #tpu.memory_space<vmem>>
      %dma_start3A_319 = arith.constant 0 : i32
      %dma_start3A_320 = arith.constant 0 : i32
      %dma_start3A_321 = tpu.memref_slice %arg2[%dma_start3A_319, %dma_start3A_320] : memref<10000x64xi32, #tpu.memory_space<hbm>> -> memref<10000x64xi32, #tpu.memory_space<hbm>>
      tpu.enqueue_indirect_dma source(%dma_start3A_321 : memref<10000x64xi32, #tpu.memory_space<hbm>>) target(%dma_start3A_317 : memref<80x64xi32, #tpu.memory_space<vmem>>) offsets(%dma_start3A_318 : memref<80xi32, #tpu.memory_space<vmem>>) semaphore(%arg13 : memref<!tpu.dma_semaphore, #tpu.memory_space<semaphore_mem>>)
      %dma_wait3A_322 = arith.constant 1 : i32
      %dma_wait3A_323 = arith.constant 0 : i32
      %dma_wait3A_324 = arith.constant 0 : i32
      %dma_wait3A_325 = tpu.memref_slice %arg8[%dma_wait3A_322, %dma_wait3A_323, %dma_wait3A_324] : memref<5x80x64xi32, #tpu.memory_space<vmem>> -> memref<1x80x64xi32, #tpu.memory_space<vmem>>
      %dma_wait3A_326 = tpu.memref_squeeze %dma_wait3A_325 : memref<1x80x64xi32, #tpu.memory_space<vmem>> -> memref<80x64xi32, #tpu.memory_space<vmem>>
      %dma_wait3A_327 = arith.constant 0 : i32
      %dma_wait3A_328 = arith.constant 0 : i32
      %dma_wait3A_329 = tpu.memref_slice %arg2[%dma_wait3A_327, %dma_wait3A_328] : memref<10000x64xi32, #tpu.memory_space<hbm>> -> memref<80x64xi32, #tpu.memory_space<hbm>>
      %dma_wait3A_330 = arith.constant 0 : i32
      %dma_wait3A_331 = arith.constant 0 : i32
      %dma_wait3A_332 = tpu.memref_slice %arg8[%dma_wait3A_322, %dma_wait3A_330, %dma_wait3A_331] : memref<5x80x64xi32, #tpu.memory_space<vmem>> -> memref<1x80x64xi32, #tpu.memory_space<vmem>>
      %dma_wait3A_333 = tpu.memref_squeeze %dma_wait3A_332 : memref<1x80x64xi32, #tpu.memory_space<vmem>> -> memref<80x64xi32, #tpu.memory_space<vmem>>
      %dma_wait3A_334 = arith.constant 0 : i32
      %dma_wait3A_335 = arith.constant 0 : i32
      %dma_wait3A_336 = tpu.memref_slice %arg2[%dma_wait3A_334, %dma_wait3A_335] : memref<10000x64xi32, #tpu.memory_space<hbm>> -> memref<80x64xi32, #tpu.memory_space<hbm>>
      tpu.wait_dma2 semaphore(%arg14 : memref<!tpu.dma_semaphore, #tpu.memory_space<semaphore_mem>>) src(%dma_wait3A_336 : memref<80x64xi32, #tpu.memory_space<hbm>>) dst(%dma_wait3A_333 : memref<80x64xi32, #tpu.memory_space<vmem>>)
      %dma_wait3A_337 = arith.constant 1 : i32
      %dma_wait3A_338 = arith.constant 0 : i32
      %dma_wait3A_339 = arith.constant 0 : i32
      %dma_wait3A_340 = tpu.memref_slice %arg9[%dma_wait3A_337, %dma_wait3A_338, %dma_wait3A_339] : memref<5x80x64xi32, #tpu.memory_space<vmem>> -> memref<1x80x64xi32, #tpu.memory_space<vmem>>
      %dma_wait3A_341 = tpu.memref_squeeze %dma_wait3A_340 : memref<1x80x64xi32, #tpu.memory_space<vmem>> -> memref<80x64xi32, #tpu.memory_space<vmem>>
      %dma_wait3A_342 = arith.constant 0 : i32
      %dma_wait3A_343 = arith.constant 0 : i32
      %dma_wait3A_344 = tpu.memref_slice %arg2[%dma_wait3A_342, %dma_wait3A_343] : memref<10000x64xi32, #tpu.memory_space<hbm>> -> memref<80x64xi32, #tpu.memory_space<hbm>>
      %dma_wait3A_345 = arith.constant 0 : i32
      %dma_wait3A_346 = arith.constant 0 : i32
      %dma_wait3A_347 = tpu.memref_slice %arg9[%dma_wait3A_337, %dma_wait3A_345, %dma_wait3A_346] : memref<5x80x64xi32, #tpu.memory_space<vmem>> -> memref<1x80x64xi32, #tpu.memory_space<vmem>>
      %dma_wait3A_348 = tpu.memref_squeeze %dma_wait3A_347 : memref<1x80x64xi32, #tpu.memory_space<vmem>> -> memref<80x64xi32, #tpu.memory_space<vmem>>
      %dma_wait3A_349 = arith.constant 0 : i32
      %dma_wait3A_350 = arith.constant 0 : i32
      %dma_wait3A_351 = tpu.memref_slice %arg2[%dma_wait3A_349, %dma_wait3A_350] : memref<10000x64xi32, #tpu.memory_space<hbm>> -> memref<80x64xi32, #tpu.memory_space<hbm>>
      tpu.wait_dma2 semaphore(%arg15 : memref<!tpu.dma_semaphore, #tpu.memory_space<semaphore_mem>>) src(%dma_wait3A_351 : memref<80x64xi32, #tpu.memory_space<hbm>>) dst(%dma_wait3A_348 : memref<80x64xi32, #tpu.memory_space<vmem>>)
      %add3A_352 = arith.constant 1 : i32
      %add3A_353 = arith.addi %mul3A_265, %add3A_352 : i32
      %add3A_354 = arith.constant 5 : i32
      %add3A_355 = arith.addi %add3A_353, %add3A_354 : i32
      %mul3A_356 = arith.constant 80 : i32
      %mul3A_357 = arith.muli %add3A_355, %mul3A_356 : i32
      %dma_start3A_358 = arith.constant 1 : i32
      %dma_start3A_359 = arith.constant 0 : i32
      %dma_start3A_360 = arith.constant 0 : i32
      %dma_start3A_361 = tpu.memref_slice %arg8[%dma_start3A_358, %dma_start3A_359, %dma_start3A_360] : memref<5x80x64xi32, #tpu.memory_space<vmem>> -> memref<1x80x64xi32, #tpu.memory_space<vmem>>
      %dma_start3A_362 = tpu.memref_squeeze %dma_start3A_361 : memref<1x80x64xi32, #tpu.memory_space<vmem>> -> memref<80x64xi32, #tpu.memory_space<vmem>>
      %dma_start3A_363 = tpu.memref_slice %arg6[%mul3A_357] : memref<10000xi32, #tpu.memory_space<vmem>> -> memref<80xi32, #tpu.memory_space<vmem>>
      %dma_start3A_364 = arith.constant 0 : i32
      %dma_start3A_365 = arith.constant 0 : i32
      %dma_start3A_366 = tpu.memref_slice %arg2[%dma_start3A_364, %dma_start3A_365] : memref<10000x64xi32, #tpu.memory_space<hbm>> -> memref<10000x64xi32, #tpu.memory_space<hbm>>
      tpu.enqueue_indirect_dma source(%dma_start3A_366 : memref<10000x64xi32, #tpu.memory_space<hbm>>) target(%dma_start3A_362 : memref<80x64xi32, #tpu.memory_space<vmem>>) offsets(%dma_start3A_363 : memref<80xi32, #tpu.memory_space<vmem>>) semaphore(%arg14 : memref<!tpu.dma_semaphore, #tpu.memory_space<semaphore_mem>>)
      %mul3A_367 = arith.constant 80 : i32
      %mul3A_368 = arith.muli %add3A_355, %mul3A_367 : i32
      %dma_start3A_369 = arith.constant 1 : i32
      %dma_start3A_370 = arith.constant 0 : i32
      %dma_start3A_371 = arith.constant 0 : i32
      %dma_start3A_372 = tpu.memref_slice %arg9[%dma_start3A_369, %dma_start3A_370, %dma_start3A_371] : memref<5x80x64xi32, #tpu.memory_space<vmem>> -> memref<1x80x64xi32, #tpu.memory_space<vmem>>
      %dma_start3A_373 = tpu.memref_squeeze %dma_start3A_372 : memref<1x80x64xi32, #tpu.memory_space<vmem>> -> memref<80x64xi32, #tpu.memory_space<vmem>>
      %dma_start3A_374 = tpu.memref_slice %arg7[%mul3A_368] : memref<10000xi32, #tpu.memory_space<vmem>> -> memref<80xi32, #tpu.memory_space<vmem>>
      %dma_start3A_375 = arith.constant 0 : i32
      %dma_start3A_376 = arith.constant 0 : i32
      %dma_start3A_377 = tpu.memref_slice %arg2[%dma_start3A_375, %dma_start3A_376] : memref<10000x64xi32, #tpu.memory_space<hbm>> -> memref<10000x64xi32, #tpu.memory_space<hbm>>
      tpu.enqueue_indirect_dma source(%dma_start3A_377 : memref<10000x64xi32, #tpu.memory_space<hbm>>) target(%dma_start3A_373 : memref<80x64xi32, #tpu.memory_space<vmem>>) offsets(%dma_start3A_374 : memref<80xi32, #tpu.memory_space<vmem>>) semaphore(%arg15 : memref<!tpu.dma_semaphore, #tpu.memory_space<semaphore_mem>>)
      %dma_wait3A_378 = arith.constant 2 : i32
      %dma_wait3A_379 = arith.constant 0 : i32
      %dma_wait3A_380 = arith.constant 0 : i32
      %dma_wait3A_381 = tpu.memref_slice %arg8[%dma_wait3A_378, %dma_wait3A_379, %dma_wait3A_380] : memref<5x80x64xi32, #tpu.memory_space<vmem>> -> memref<1x80x64xi32, #tpu.memory_space<vmem>>
      %dma_wait3A_382 = tpu.memref_squeeze %dma_wait3A_381 : memref<1x80x64xi32, #tpu.memory_space<vmem>> -> memref<80x64xi32, #tpu.memory_space<vmem>>
      %dma_wait3A_383 = arith.constant 0 : i32
      %dma_wait3A_384 = arith.constant 0 : i32
      %dma_wait3A_385 = tpu.memref_slice %arg2[%dma_wait3A_383, %dma_wait3A_384] : memref<10000x64xi32, #tpu.memory_space<hbm>> -> memref<80x64xi32, #tpu.memory_space<hbm>>
      %dma_wait3A_386 = arith.constant 0 : i32
      %dma_wait3A_387 = arith.constant 0 : i32
      %dma_wait3A_388 = tpu.memref_slice %arg8[%dma_wait3A_378, %dma_wait3A_386, %dma_wait3A_387] : memref<5x80x64xi32, #tpu.memory_space<vmem>> -> memref<1x80x64xi32, #tpu.memory_space<vmem>>
      %dma_wait3A_389 = tpu.memref_squeeze %dma_wait3A_388 : memref<1x80x64xi32, #tpu.memory_space<vmem>> -> memref<80x64xi32, #tpu.memory_space<vmem>>
      %dma_wait3A_390 = arith.constant 0 : i32
      %dma_wait3A_391 = arith.constant 0 : i32
      %dma_wait3A_392 = tpu.memref_slice %arg2[%dma_wait3A_390, %dma_wait3A_391] : memref<10000x64xi32, #tpu.memory_space<hbm>> -> memref<80x64xi32, #tpu.memory_space<hbm>>
      tpu.wait_dma2 semaphore(%arg16 : memref<!tpu.dma_semaphore, #tpu.memory_space<semaphore_mem>>) src(%dma_wait3A_392 : memref<80x64xi32, #tpu.memory_space<hbm>>) dst(%dma_wait3A_389 : memref<80x64xi32, #tpu.memory_space<vmem>>)
      %dma_wait3A_393 = arith.constant 2 : i32
      %dma_wait3A_394 = arith.constant 0 : i32
      %dma_wait3A_395 = arith.constant 0 : i32
      %dma_wait3A_396 = tpu.memref_slice %arg9[%dma_wait3A_393, %dma_wait3A_394, %dma_wait3A_395] : memref<5x80x64xi32, #tpu.memory_space<vmem>> -> memref<1x80x64xi32, #tpu.memory_space<vmem>>
      %dma_wait3A_397 = tpu.memref_squeeze %dma_wait3A_396 : memref<1x80x64xi32, #tpu.memory_space<vmem>> -> memref<80x64xi32, #tpu.memory_space<vmem>>
      %dma_wait3A_398 = arith.constant 0 : i32
      %dma_wait3A_399 = arith.constant 0 : i32
      %dma_wait3A_400 = tpu.memref_slice %arg2[%dma_wait3A_398, %dma_wait3A_399] : memref<10000x64xi32, #tpu.memory_space<hbm>> -> memref<80x64xi32, #tpu.memory_space<hbm>>
      %dma_wait3A_401 = arith.constant 0 : i32
      %dma_wait3A_402 = arith.constant 0 : i32
      %dma_wait3A_403 = tpu.memref_slice %arg9[%dma_wait3A_393, %dma_wait3A_401, %dma_wait3A_402] : memref<5x80x64xi32, #tpu.memory_space<vmem>> -> memref<1x80x64xi32, #tpu.memory_space<vmem>>
      %dma_wait3A_404 = tpu.memref_squeeze %dma_wait3A_403 : memref<1x80x64xi32, #tpu.memory_space<vmem>> -> memref<80x64xi32, #tpu.memory_space<vmem>>
      %dma_wait3A_405 = arith.constant 0 : i32
      %dma_wait3A_406 = arith.constant 0 : i32
      %dma_wait3A_407 = tpu.memref_slice %arg2[%dma_wait3A_405, %dma_wait3A_406] : memref<10000x64xi32, #tpu.memory_space<hbm>> -> memref<80x64xi32, #tpu.memory_space<hbm>>
      tpu.wait_dma2 semaphore(%arg17 : memref<!tpu.dma_semaphore, #tpu.memory_space<semaphore_mem>>) src(%dma_wait3A_407 : memref<80x64xi32, #tpu.memory_space<hbm>>) dst(%dma_wait3A_404 : memref<80x64xi32, #tpu.memory_space<vmem>>)
      %add3A_408 = arith.constant 2 : i32
      %add3A_409 = arith.addi %mul3A_265, %add3A_408 : i32
      %add3A_410 = arith.constant 5 : i32
      %add3A_411 = arith.addi %add3A_409, %add3A_410 : i32
      %mul3A_412 = arith.constant 80 : i32
      %mul3A_413 = arith.muli %add3A_411, %mul3A_412 : i32
      %dma_start3A_414 = arith.constant 2 : i32
      %dma_start3A_415 = arith.constant 0 : i32
      %dma_start3A_416 = arith.constant 0 : i32
      %dma_start3A_417 = tpu.memref_slice %arg8[%dma_start3A_414, %dma_start3A_415, %dma_start3A_416] : memref<5x80x64xi32, #tpu.memory_space<vmem>> -> memref<1x80x64xi32, #tpu.memory_space<vmem>>
      %dma_start3A_418 = tpu.memref_squeeze %dma_start3A_417 : memref<1x80x64xi32, #tpu.memory_space<vmem>> -> memref<80x64xi32, #tpu.memory_space<vmem>>
      %dma_start3A_419 = tpu.memref_slice %arg6[%mul3A_413] : memref<10000xi32, #tpu.memory_space<vmem>> -> memref<80xi32, #tpu.memory_space<vmem>>
      %dma_start3A_420 = arith.constant 0 : i32
      %dma_start3A_421 = arith.constant 0 : i32
      %dma_start3A_422 = tpu.memref_slice %arg2[%dma_start3A_420, %dma_start3A_421] : memref<10000x64xi32, #tpu.memory_space<hbm>> -> memref<10000x64xi32, #tpu.memory_space<hbm>>
      tpu.enqueue_indirect_dma source(%dma_start3A_422 : memref<10000x64xi32, #tpu.memory_space<hbm>>) target(%dma_start3A_418 : memref<80x64xi32, #tpu.memory_space<vmem>>) offsets(%dma_start3A_419 : memref<80xi32, #tpu.memory_space<vmem>>) semaphore(%arg16 : memref<!tpu.dma_semaphore, #tpu.memory_space<semaphore_mem>>)
      %mul3A_423 = arith.constant 80 : i32
      %mul3A_424 = arith.muli %add3A_411, %mul3A_423 : i32
      %dma_start3A_425 = arith.constant 2 : i32
      %dma_start3A_426 = arith.constant 0 : i32
      %dma_start3A_427 = arith.constant 0 : i32
      %dma_start3A_428 = tpu.memref_slice %arg9[%dma_start3A_425, %dma_start3A_426, %dma_start3A_427] : memref<5x80x64xi32, #tpu.memory_space<vmem>> -> memref<1x80x64xi32, #tpu.memory_space<vmem>>
      %dma_start3A_429 = tpu.memref_squeeze %dma_start3A_428 : memref<1x80x64xi32, #tpu.memory_space<vmem>> -> memref<80x64xi32, #tpu.memory_space<vmem>>
      %dma_start3A_430 = tpu.memref_slice %arg7[%mul3A_424] : memref<10000xi32, #tpu.memory_space<vmem>> -> memref<80xi32, #tpu.memory_space<vmem>>
      %dma_start3A_431 = arith.constant 0 : i32
      %dma_start3A_432 = arith.constant 0 : i32
      %dma_start3A_433 = tpu.memref_slice %arg2[%dma_start3A_431, %dma_start3A_432] : memref<10000x64xi32, #tpu.memory_space<hbm>> -> memref<10000x64xi32, #tpu.memory_space<hbm>>
      tpu.enqueue_indirect_dma source(%dma_start3A_433 : memref<10000x64xi32, #tpu.memory_space<hbm>>) target(%dma_start3A_429 : memref<80x64xi32, #tpu.memory_space<vmem>>) offsets(%dma_start3A_430 : memref<80xi32, #tpu.memory_space<vmem>>) semaphore(%arg17 : memref<!tpu.dma_semaphore, #tpu.memory_space<semaphore_mem>>)
      %dma_wait3A_434 = arith.constant 3 : i32
      %dma_wait3A_435 = arith.constant 0 : i32
      %dma_wait3A_436 = arith.constant 0 : i32
      %dma_wait3A_437 = tpu.memref_slice %arg8[%dma_wait3A_434, %dma_wait3A_435, %dma_wait3A_436] : memref<5x80x64xi32, #tpu.memory_space<vmem>> -> memref<1x80x64xi32, #tpu.memory_space<vmem>>
      %dma_wait3A_438 = tpu.memref_squeeze %dma_wait3A_437 : memref<1x80x64xi32, #tpu.memory_space<vmem>> -> memref<80x64xi32, #tpu.memory_space<vmem>>
      %dma_wait3A_439 = arith.constant 0 : i32
      %dma_wait3A_440 = arith.constant 0 : i32
      %dma_wait3A_441 = tpu.memref_slice %arg2[%dma_wait3A_439, %dma_wait3A_440] : memref<10000x64xi32, #tpu.memory_space<hbm>> -> memref<80x64xi32, #tpu.memory_space<hbm>>
      %dma_wait3A_442 = arith.constant 0 : i32
      %dma_wait3A_443 = arith.constant 0 : i32
      %dma_wait3A_444 = tpu.memref_slice %arg8[%dma_wait3A_434, %dma_wait3A_442, %dma_wait3A_443] : memref<5x80x64xi32, #tpu.memory_space<vmem>> -> memref<1x80x64xi32, #tpu.memory_space<vmem>>
      %dma_wait3A_445 = tpu.memref_squeeze %dma_wait3A_444 : memref<1x80x64xi32, #tpu.memory_space<vmem>> -> memref<80x64xi32, #tpu.memory_space<vmem>>
      %dma_wait3A_446 = arith.constant 0 : i32
      %dma_wait3A_447 = arith.constant 0 : i32
      %dma_wait3A_448 = tpu.memref_slice %arg2[%dma_wait3A_446, %dma_wait3A_447] : memref<10000x64xi32, #tpu.memory_space<hbm>> -> memref<80x64xi32, #tpu.memory_space<hbm>>
      tpu.wait_dma2 semaphore(%arg18 : memref<!tpu.dma_semaphore, #tpu.memory_space<semaphore_mem>>) src(%dma_wait3A_448 : memref<80x64xi32, #tpu.memory_space<hbm>>) dst(%dma_wait3A_445 : memref<80x64xi32, #tpu.memory_space<vmem>>)
      %dma_wait3A_449 = arith.constant 3 : i32
      %dma_wait3A_450 = arith.constant 0 : i32
      %dma_wait3A_451 = arith.constant 0 : i32
      %dma_wait3A_452 = tpu.memref_slice %arg9[%dma_wait3A_449, %dma_wait3A_450, %dma_wait3A_451] : memref<5x80x64xi32, #tpu.memory_space<vmem>> -> memref<1x80x64xi32, #tpu.memory_space<vmem>>
      %dma_wait3A_453 = tpu.memref_squeeze %dma_wait3A_452 : memref<1x80x64xi32, #tpu.memory_space<vmem>> -> memref<80x64xi32, #tpu.memory_space<vmem>>
      %dma_wait3A_454 = arith.constant 0 : i32
      %dma_wait3A_455 = arith.constant 0 : i32
      %dma_wait3A_456 = tpu.memref_slice %arg2[%dma_wait3A_454, %dma_wait3A_455] : memref<10000x64xi32, #tpu.memory_space<hbm>> -> memref<80x64xi32, #tpu.memory_space<hbm>>
      %dma_wait3A_457 = arith.constant 0 : i32
      %dma_wait3A_458 = arith.constant 0 : i32
      %dma_wait3A_459 = tpu.memref_slice %arg9[%dma_wait3A_449, %dma_wait3A_457, %dma_wait3A_458] : memref<5x80x64xi32, #tpu.memory_space<vmem>> -> memref<1x80x64xi32, #tpu.memory_space<vmem>>
      %dma_wait3A_460 = tpu.memref_squeeze %dma_wait3A_459 : memref<1x80x64xi32, #tpu.memory_space<vmem>> -> memref<80x64xi32, #tpu.memory_space<vmem>>
      %dma_wait3A_461 = arith.constant 0 : i32
      %dma_wait3A_462 = arith.constant 0 : i32
      %dma_wait3A_463 = tpu.memref_slice %arg2[%dma_wait3A_461, %dma_wait3A_462] : memref<10000x64xi32, #tpu.memory_space<hbm>> -> memref<80x64xi32, #tpu.memory_space<hbm>>
      tpu.wait_dma2 semaphore(%arg19 : memref<!tpu.dma_semaphore, #tpu.memory_space<semaphore_mem>>) src(%dma_wait3A_463 : memref<80x64xi32, #tpu.memory_space<hbm>>) dst(%dma_wait3A_460 : memref<80x64xi32, #tpu.memory_space<vmem>>)
      %add3A_464 = arith.constant 3 : i32
      %add3A_465 = arith.addi %mul3A_265, %add3A_464 : i32
      %add3A_466 = arith.constant 5 : i32
      %add3A_467 = arith.addi %add3A_465, %add3A_466 : i32
      %mul3A_468 = arith.constant 80 : i32
      %mul3A_469 = arith.muli %add3A_467, %mul3A_468 : i32
      %dma_start3A_470 = arith.constant 3 : i32
      %dma_start3A_471 = arith.constant 0 : i32
      %dma_start3A_472 = arith.constant 0 : i32
      %dma_start3A_473 = tpu.memref_slice %arg8[%dma_start3A_470, %dma_start3A_471, %dma_start3A_472] : memref<5x80x64xi32, #tpu.memory_space<vmem>> -> memref<1x80x64xi32, #tpu.memory_space<vmem>>
      %dma_start3A_474 = tpu.memref_squeeze %dma_start3A_473 : memref<1x80x64xi32, #tpu.memory_space<vmem>> -> memref<80x64xi32, #tpu.memory_space<vmem>>
      %dma_start3A_475 = tpu.memref_slice %arg6[%mul3A_469] : memref<10000xi32, #tpu.memory_space<vmem>> -> memref<80xi32, #tpu.memory_space<vmem>>
      %dma_start3A_476 = arith.constant 0 : i32
      %dma_start3A_477 = arith.constant 0 : i32
      %dma_start3A_478 = tpu.memref_slice %arg2[%dma_start3A_476, %dma_start3A_477] : memref<10000x64xi32, #tpu.memory_space<hbm>> -> memref<10000x64xi32, #tpu.memory_space<hbm>>
      tpu.enqueue_indirect_dma source(%dma_start3A_478 : memref<10000x64xi32, #tpu.memory_space<hbm>>) target(%dma_start3A_474 : memref<80x64xi32, #tpu.memory_space<vmem>>) offsets(%dma_start3A_475 : memref<80xi32, #tpu.memory_space<vmem>>) semaphore(%arg18 : memref<!tpu.dma_semaphore, #tpu.memory_space<semaphore_mem>>)
      %mul3A_479 = arith.constant 80 : i32
      %mul3A_480 = arith.muli %add3A_467, %mul3A_479 : i32
      %dma_start3A_481 = arith.constant 3 : i32
      %dma_start3A_482 = arith.constant 0 : i32
      %dma_start3A_483 = arith.constant 0 : i32
      %dma_start3A_484 = tpu.memref_slice %arg9[%dma_start3A_481, %dma_start3A_482, %dma_start3A_483] : memref<5x80x64xi32, #tpu.memory_space<vmem>> -> memref<1x80x64xi32, #tpu.memory_space<vmem>>
      %dma_start3A_485 = tpu.memref_squeeze %dma_start3A_484 : memref<1x80x64xi32, #tpu.memory_space<vmem>> -> memref<80x64xi32, #tpu.memory_space<vmem>>
      %dma_start3A_486 = tpu.memref_slice %arg7[%mul3A_480] : memref<10000xi32, #tpu.memory_space<vmem>> -> memref<80xi32, #tpu.memory_space<vmem>>
      %dma_start3A_487 = arith.constant 0 : i32
      %dma_start3A_488 = arith.constant 0 : i32
      %dma_start3A_489 = tpu.memref_slice %arg2[%dma_start3A_487, %dma_start3A_488] : memref<10000x64xi32, #tpu.memory_space<hbm>> -> memref<10000x64xi32, #tpu.memory_space<hbm>>
      tpu.enqueue_indirect_dma source(%dma_start3A_489 : memref<10000x64xi32, #tpu.memory_space<hbm>>) target(%dma_start3A_485 : memref<80x64xi32, #tpu.memory_space<vmem>>) offsets(%dma_start3A_486 : memref<80xi32, #tpu.memory_space<vmem>>) semaphore(%arg19 : memref<!tpu.dma_semaphore, #tpu.memory_space<semaphore_mem>>)
      %dma_wait3A_490 = arith.constant 4 : i32
      %dma_wait3A_491 = arith.constant 0 : i32
      %dma_wait3A_492 = arith.constant 0 : i32
      %dma_wait3A_493 = tpu.memref_slice %arg8[%dma_wait3A_490, %dma_wait3A_491, %dma_wait3A_492] : memref<5x80x64xi32, #tpu.memory_space<vmem>> -> memref<1x80x64xi32, #tpu.memory_space<vmem>>
      %dma_wait3A_494 = tpu.memref_squeeze %dma_wait3A_493 : memref<1x80x64xi32, #tpu.memory_space<vmem>> -> memref<80x64xi32, #tpu.memory_space<vmem>>
      %dma_wait3A_495 = arith.constant 0 : i32
      %dma_wait3A_496 = arith.constant 0 : i32
      %dma_wait3A_497 = tpu.memref_slice %arg2[%dma_wait3A_495, %dma_wait3A_496] : memref<10000x64xi32, #tpu.memory_space<hbm>> -> memref<80x64xi32, #tpu.memory_space<hbm>>
      %dma_wait3A_498 = arith.constant 0 : i32
      %dma_wait3A_499 = arith.constant 0 : i32
      %dma_wait3A_500 = tpu.memref_slice %arg8[%dma_wait3A_490, %dma_wait3A_498, %dma_wait3A_499] : memref<5x80x64xi32, #tpu.memory_space<vmem>> -> memref<1x80x64xi32, #tpu.memory_space<vmem>>
      %dma_wait3A_501 = tpu.memref_squeeze %dma_wait3A_500 : memref<1x80x64xi32, #tpu.memory_space<vmem>> -> memref<80x64xi32, #tpu.memory_space<vmem>>
      %dma_wait3A_502 = arith.constant 0 : i32
      %dma_wait3A_503 = arith.constant 0 : i32
      %dma_wait3A_504 = tpu.memref_slice %arg2[%dma_wait3A_502, %dma_wait3A_503] : memref<10000x64xi32, #tpu.memory_space<hbm>> -> memref<80x64xi32, #tpu.memory_space<hbm>>
      tpu.wait_dma2 semaphore(%arg20 : memref<!tpu.dma_semaphore, #tpu.memory_space<semaphore_mem>>) src(%dma_wait3A_504 : memref<80x64xi32, #tpu.memory_space<hbm>>) dst(%dma_wait3A_501 : memref<80x64xi32, #tpu.memory_space<vmem>>)
      %dma_wait3A_505 = arith.constant 4 : i32
      %dma_wait3A_506 = arith.constant 0 : i32
      %dma_wait3A_507 = arith.constant 0 : i32
      %dma_wait3A_508 = tpu.memref_slice %arg9[%dma_wait3A_505, %dma_wait3A_506, %dma_wait3A_507] : memref<5x80x64xi32, #tpu.memory_space<vmem>> -> memref<1x80x64xi32, #tpu.memory_space<vmem>>
      %dma_wait3A_509 = tpu.memref_squeeze %dma_wait3A_508 : memref<1x80x64xi32, #tpu.memory_space<vmem>> -> memref<80x64xi32, #tpu.memory_space<vmem>>
      %dma_wait3A_510 = arith.constant 0 : i32
      %dma_wait3A_511 = arith.constant 0 : i32
      %dma_wait3A_512 = tpu.memref_slice %arg2[%dma_wait3A_510, %dma_wait3A_511] : memref<10000x64xi32, #tpu.memory_space<hbm>> -> memref<80x64xi32, #tpu.memory_space<hbm>>
      %dma_wait3A_513 = arith.constant 0 : i32
      %dma_wait3A_514 = arith.constant 0 : i32
      %dma_wait3A_515 = tpu.memref_slice %arg9[%dma_wait3A_505, %dma_wait3A_513, %dma_wait3A_514] : memref<5x80x64xi32, #tpu.memory_space<vmem>> -> memref<1x80x64xi32, #tpu.memory_space<vmem>>
      %dma_wait3A_516 = tpu.memref_squeeze %dma_wait3A_515 : memref<1x80x64xi32, #tpu.memory_space<vmem>> -> memref<80x64xi32, #tpu.memory_space<vmem>>
      %dma_wait3A_517 = arith.constant 0 : i32
      %dma_wait3A_518 = arith.constant 0 : i32
      %dma_wait3A_519 = tpu.memref_slice %arg2[%dma_wait3A_517, %dma_wait3A_518] : memref<10000x64xi32, #tpu.memory_space<hbm>> -> memref<80x64xi32, #tpu.memory_space<hbm>>
      tpu.wait_dma2 semaphore(%arg21 : memref<!tpu.dma_semaphore, #tpu.memory_space<semaphore_mem>>) src(%dma_wait3A_519 : memref<80x64xi32, #tpu.memory_space<hbm>>) dst(%dma_wait3A_516 : memref<80x64xi32, #tpu.memory_space<vmem>>)
      %add3A_520 = arith.constant 4 : i32
      %add3A_521 = arith.addi %mul3A_265, %add3A_520 : i32
      %add3A_522 = arith.constant 5 : i32
      %add3A_523 = arith.addi %add3A_521, %add3A_522 : i32
      %mul3A_524 = arith.constant 80 : i32
      %mul3A_525 = arith.muli %add3A_523, %mul3A_524 : i32
      %dma_start3A_526 = arith.constant 4 : i32
      %dma_start3A_527 = arith.constant 0 : i32
      %dma_start3A_528 = arith.constant 0 : i32
      %dma_start3A_529 = tpu.memref_slice %arg8[%dma_start3A_526, %dma_start3A_527, %dma_start3A_528] : memref<5x80x64xi32, #tpu.memory_space<vmem>> -> memref<1x80x64xi32, #tpu.memory_space<vmem>>
      %dma_start3A_530 = tpu.memref_squeeze %dma_start3A_529 : memref<1x80x64xi32, #tpu.memory_space<vmem>> -> memref<80x64xi32, #tpu.memory_space<vmem>>
      %dma_start3A_531 = tpu.memref_slice %arg6[%mul3A_525] : memref<10000xi32, #tpu.memory_space<vmem>> -> memref<80xi32, #tpu.memory_space<vmem>>
      %dma_start3A_532 = arith.constant 0 : i32
      %dma_start3A_533 = arith.constant 0 : i32
      %dma_start3A_534 = tpu.memref_slice %arg2[%dma_start3A_532, %dma_start3A_533] : memref<10000x64xi32, #tpu.memory_space<hbm>> -> memref<10000x64xi32, #tpu.memory_space<hbm>>
      tpu.enqueue_indirect_dma source(%dma_start3A_534 : memref<10000x64xi32, #tpu.memory_space<hbm>>) target(%dma_start3A_530 : memref<80x64xi32, #tpu.memory_space<vmem>>) offsets(%dma_start3A_531 : memref<80xi32, #tpu.memory_space<vmem>>) semaphore(%arg20 : memref<!tpu.dma_semaphore, #tpu.memory_space<semaphore_mem>>)
      %mul3A_535 = arith.constant 80 : i32
      %mul3A_536 = arith.muli %add3A_523, %mul3A_535 : i32
      %dma_start3A_537 = arith.constant 4 : i32
      %dma_start3A_538 = arith.constant 0 : i32
      %dma_start3A_539 = arith.constant 0 : i32
      %dma_start3A_540 = tpu.memref_slice %arg9[%dma_start3A_537, %dma_start3A_538, %dma_start3A_539] : memref<5x80x64xi32, #tpu.memory_space<vmem>> -> memref<1x80x64xi32, #tpu.memory_space<vmem>>
      %dma_start3A_541 = tpu.memref_squeeze %dma_start3A_540 : memref<1x80x64xi32, #tpu.memory_space<vmem>> -> memref<80x64xi32, #tpu.memory_space<vmem>>
      %dma_start3A_542 = tpu.memref_slice %arg7[%mul3A_536] : memref<10000xi32, #tpu.memory_space<vmem>> -> memref<80xi32, #tpu.memory_space<vmem>>
      %dma_start3A_543 = arith.constant 0 : i32
      %dma_start3A_544 = arith.constant 0 : i32
      %dma_start3A_545 = tpu.memref_slice %arg2[%dma_start3A_543, %dma_start3A_544] : memref<10000x64xi32, #tpu.memory_space<hbm>> -> memref<10000x64xi32, #tpu.memory_space<hbm>>
      tpu.enqueue_indirect_dma source(%dma_start3A_545 : memref<10000x64xi32, #tpu.memory_space<hbm>>) target(%dma_start3A_541 : memref<80x64xi32, #tpu.memory_space<vmem>>) offsets(%dma_start3A_542 : memref<80xi32, #tpu.memory_space<vmem>>) semaphore(%arg21 : memref<!tpu.dma_semaphore, #tpu.memory_space<semaphore_mem>>)
    }
    %scan3A_109 = arith.constant 24 : i32
    %dma_wait3A = arith.constant 0 : i32
    %dma_wait3A_110 = arith.constant 0 : i32
    %dma_wait3A_111 = arith.constant 0 : i32
    %dma_wait3A_112 = tpu.memref_slice %arg8[%dma_wait3A, %dma_wait3A_110, %dma_wait3A_111] : memref<5x80x64xi32, #tpu.memory_space<vmem>> -> memref<1x80x64xi32, #tpu.memory_space<vmem>>
    %dma_wait3A_113 = tpu.memref_squeeze %dma_wait3A_112 : memref<1x80x64xi32, #tpu.memory_space<vmem>> -> memref<80x64xi32, #tpu.memory_space<vmem>>
    %dma_wait3A_114 = arith.constant 0 : i32
    %dma_wait3A_115 = arith.constant 0 : i32
    %dma_wait3A_116 = tpu.memref_slice %arg2[%dma_wait3A_114, %dma_wait3A_115] : memref<10000x64xi32, #tpu.memory_space<hbm>> -> memref<80x64xi32, #tpu.memory_space<hbm>>
    %dma_wait3A_117 = arith.constant 0 : i32
    %dma_wait3A_118 = arith.constant 0 : i32
    %dma_wait3A_119 = tpu.memref_slice %arg8[%dma_wait3A, %dma_wait3A_117, %dma_wait3A_118] : memref<5x80x64xi32, #tpu.memory_space<vmem>> -> memref<1x80x64xi32, #tpu.memory_space<vmem>>
    %dma_wait3A_120 = tpu.memref_squeeze %dma_wait3A_119 : memref<1x80x64xi32, #tpu.memory_space<vmem>> -> memref<80x64xi32, #tpu.memory_space<vmem>>
    %dma_wait3A_121 = arith.constant 0 : i32
    %dma_wait3A_122 = arith.constant 0 : i32
    %dma_wait3A_123 = tpu.memref_slice %arg2[%dma_wait3A_121, %dma_wait3A_122] : memref<10000x64xi32, #tpu.memory_space<hbm>> -> memref<80x64xi32, #tpu.memory_space<hbm>>
    tpu.wait_dma2 semaphore(%arg12 : memref<!tpu.dma_semaphore, #tpu.memory_space<semaphore_mem>>) src(%dma_wait3A_123 : memref<80x64xi32, #tpu.memory_space<hbm>>) dst(%dma_wait3A_120 : memref<80x64xi32, #tpu.memory_space<vmem>>)
    %dma_wait3A_124 = arith.constant 0 : i32
    %dma_wait3A_125 = arith.constant 0 : i32
    %dma_wait3A_126 = arith.constant 0 : i32
    %dma_wait3A_127 = tpu.memref_slice %arg9[%dma_wait3A_124, %dma_wait3A_125, %dma_wait3A_126] : memref<5x80x64xi32, #tpu.memory_space<vmem>> -> memref<1x80x64xi32, #tpu.memory_space<vmem>>
    %dma_wait3A_128 = tpu.memref_squeeze %dma_wait3A_127 : memref<1x80x64xi32, #tpu.memory_space<vmem>> -> memref<80x64xi32, #tpu.memory_space<vmem>>
    %dma_wait3A_129 = arith.constant 0 : i32
    %dma_wait3A_130 = arith.constant 0 : i32
    %dma_wait3A_131 = tpu.memref_slice %arg2[%dma_wait3A_129, %dma_wait3A_130] : memref<10000x64xi32, #tpu.memory_space<hbm>> -> memref<80x64xi32, #tpu.memory_space<hbm>>
    %dma_wait3A_132 = arith.constant 0 : i32
    %dma_wait3A_133 = arith.constant 0 : i32
    %dma_wait3A_134 = tpu.memref_slice %arg9[%dma_wait3A_124, %dma_wait3A_132, %dma_wait3A_133] : memref<5x80x64xi32, #tpu.memory_space<vmem>> -> memref<1x80x64xi32, #tpu.memory_space<vmem>>
    %dma_wait3A_135 = tpu.memref_squeeze %dma_wait3A_134 : memref<1x80x64xi32, #tpu.memory_space<vmem>> -> memref<80x64xi32, #tpu.memory_space<vmem>>
    %dma_wait3A_136 = arith.constant 0 : i32
    %dma_wait3A_137 = arith.constant 0 : i32
    %dma_wait3A_138 = tpu.memref_slice %arg2[%dma_wait3A_136, %dma_wait3A_137] : memref<10000x64xi32, #tpu.memory_space<hbm>> -> memref<80x64xi32, #tpu.memory_space<hbm>>
    tpu.wait_dma2 semaphore(%arg13 : memref<!tpu.dma_semaphore, #tpu.memory_space<semaphore_mem>>) src(%dma_wait3A_138 : memref<80x64xi32, #tpu.memory_space<hbm>>) dst(%dma_wait3A_135 : memref<80x64xi32, #tpu.memory_space<vmem>>)
    %dma_wait3A_139 = arith.constant 1 : i32
    %dma_wait3A_140 = arith.constant 0 : i32
    %dma_wait3A_141 = arith.constant 0 : i32
    %dma_wait3A_142 = tpu.memref_slice %arg8[%dma_wait3A_139, %dma_wait3A_140, %dma_wait3A_141] : memref<5x80x64xi32, #tpu.memory_space<vmem>> -> memref<1x80x64xi32, #tpu.memory_space<vmem>>
    %dma_wait3A_143 = tpu.memref_squeeze %dma_wait3A_142 : memref<1x80x64xi32, #tpu.memory_space<vmem>> -> memref<80x64xi32, #tpu.memory_space<vmem>>
    %dma_wait3A_144 = arith.constant 0 : i32
    %dma_wait3A_145 = arith.constant 0 : i32
    %dma_wait3A_146 = tpu.memref_slice %arg2[%dma_wait3A_144, %dma_wait3A_145] : memref<10000x64xi32, #tpu.memory_space<hbm>> -> memref<80x64xi32, #tpu.memory_space<hbm>>
    %dma_wait3A_147 = arith.constant 0 : i32
    %dma_wait3A_148 = arith.constant 0 : i32
    %dma_wait3A_149 = tpu.memref_slice %arg8[%dma_wait3A_139, %dma_wait3A_147, %dma_wait3A_148] : memref<5x80x64xi32, #tpu.memory_space<vmem>> -> memref<1x80x64xi32, #tpu.memory_space<vmem>>
    %dma_wait3A_150 = tpu.memref_squeeze %dma_wait3A_149 : memref<1x80x64xi32, #tpu.memory_space<vmem>> -> memref<80x64xi32, #tpu.memory_space<vmem>>
    %dma_wait3A_151 = arith.constant 0 : i32
    %dma_wait3A_152 = arith.constant 0 : i32
    %dma_wait3A_153 = tpu.memref_slice %arg2[%dma_wait3A_151, %dma_wait3A_152] : memref<10000x64xi32, #tpu.memory_space<hbm>> -> memref<80x64xi32, #tpu.memory_space<hbm>>
    tpu.wait_dma2 semaphore(%arg14 : memref<!tpu.dma_semaphore, #tpu.memory_space<semaphore_mem>>) src(%dma_wait3A_153 : memref<80x64xi32, #tpu.memory_space<hbm>>) dst(%dma_wait3A_150 : memref<80x64xi32, #tpu.memory_space<vmem>>)
    %dma_wait3A_154 = arith.constant 1 : i32
    %dma_wait3A_155 = arith.constant 0 : i32
    %dma_wait3A_156 = arith.constant 0 : i32
    %dma_wait3A_157 = tpu.memref_slice %arg9[%dma_wait3A_154, %dma_wait3A_155, %dma_wait3A_156] : memref<5x80x64xi32, #tpu.memory_space<vmem>> -> memref<1x80x64xi32, #tpu.memory_space<vmem>>
    %dma_wait3A_158 = tpu.memref_squeeze %dma_wait3A_157 : memref<1x80x64xi32, #tpu.memory_space<vmem>> -> memref<80x64xi32, #tpu.memory_space<vmem>>
    %dma_wait3A_159 = arith.constant 0 : i32
    %dma_wait3A_160 = arith.constant 0 : i32
    %dma_wait3A_161 = tpu.memref_slice %arg2[%dma_wait3A_159, %dma_wait3A_160] : memref<10000x64xi32, #tpu.memory_space<hbm>> -> memref<80x64xi32, #tpu.memory_space<hbm>>
    %dma_wait3A_162 = arith.constant 0 : i32
    %dma_wait3A_163 = arith.constant 0 : i32
    %dma_wait3A_164 = tpu.memref_slice %arg9[%dma_wait3A_154, %dma_wait3A_162, %dma_wait3A_163] : memref<5x80x64xi32, #tpu.memory_space<vmem>> -> memref<1x80x64xi32, #tpu.memory_space<vmem>>
    %dma_wait3A_165 = tpu.memref_squeeze %dma_wait3A_164 : memref<1x80x64xi32, #tpu.memory_space<vmem>> -> memref<80x64xi32, #tpu.memory_space<vmem>>
    %dma_wait3A_166 = arith.constant 0 : i32
    %dma_wait3A_167 = arith.constant 0 : i32
    %dma_wait3A_168 = tpu.memref_slice %arg2[%dma_wait3A_166, %dma_wait3A_167] : memref<10000x64xi32, #tpu.memory_space<hbm>> -> memref<80x64xi32, #tpu.memory_space<hbm>>
    tpu.wait_dma2 semaphore(%arg15 : memref<!tpu.dma_semaphore, #tpu.memory_space<semaphore_mem>>) src(%dma_wait3A_168 : memref<80x64xi32, #tpu.memory_space<hbm>>) dst(%dma_wait3A_165 : memref<80x64xi32, #tpu.memory_space<vmem>>)
    %dma_wait3A_169 = arith.constant 2 : i32
    %dma_wait3A_170 = arith.constant 0 : i32
    %dma_wait3A_171 = arith.constant 0 : i32
    %dma_wait3A_172 = tpu.memref_slice %arg8[%dma_wait3A_169, %dma_wait3A_170, %dma_wait3A_171] : memref<5x80x64xi32, #tpu.memory_space<vmem>> -> memref<1x80x64xi32, #tpu.memory_space<vmem>>
    %dma_wait3A_173 = tpu.memref_squeeze %dma_wait3A_172 : memref<1x80x64xi32, #tpu.memory_space<vmem>> -> memref<80x64xi32, #tpu.memory_space<vmem>>
    %dma_wait3A_174 = arith.constant 0 : i32
    %dma_wait3A_175 = arith.constant 0 : i32
    %dma_wait3A_176 = tpu.memref_slice %arg2[%dma_wait3A_174, %dma_wait3A_175] : memref<10000x64xi32, #tpu.memory_space<hbm>> -> memref<80x64xi32, #tpu.memory_space<hbm>>
    %dma_wait3A_177 = arith.constant 0 : i32
    %dma_wait3A_178 = arith.constant 0 : i32
    %dma_wait3A_179 = tpu.memref_slice %arg8[%dma_wait3A_169, %dma_wait3A_177, %dma_wait3A_178] : memref<5x80x64xi32, #tpu.memory_space<vmem>> -> memref<1x80x64xi32, #tpu.memory_space<vmem>>
    %dma_wait3A_180 = tpu.memref_squeeze %dma_wait3A_179 : memref<1x80x64xi32, #tpu.memory_space<vmem>> -> memref<80x64xi32, #tpu.memory_space<vmem>>
    %dma_wait3A_181 = arith.constant 0 : i32
    %dma_wait3A_182 = arith.constant 0 : i32
    %dma_wait3A_183 = tpu.memref_slice %arg2[%dma_wait3A_181, %dma_wait3A_182] : memref<10000x64xi32, #tpu.memory_space<hbm>> -> memref<80x64xi32, #tpu.memory_space<hbm>>
    tpu.wait_dma2 semaphore(%arg16 : memref<!tpu.dma_semaphore, #tpu.memory_space<semaphore_mem>>) src(%dma_wait3A_183 : memref<80x64xi32, #tpu.memory_space<hbm>>) dst(%dma_wait3A_180 : memref<80x64xi32, #tpu.memory_space<vmem>>)
    %dma_wait3A_184 = arith.constant 2 : i32
    %dma_wait3A_185 = arith.constant 0 : i32
    %dma_wait3A_186 = arith.constant 0 : i32
    %dma_wait3A_187 = tpu.memref_slice %arg9[%dma_wait3A_184, %dma_wait3A_185, %dma_wait3A_186] : memref<5x80x64xi32, #tpu.memory_space<vmem>> -> memref<1x80x64xi32, #tpu.memory_space<vmem>>
    %dma_wait3A_188 = tpu.memref_squeeze %dma_wait3A_187 : memref<1x80x64xi32, #tpu.memory_space<vmem>> -> memref<80x64xi32, #tpu.memory_space<vmem>>
    %dma_wait3A_189 = arith.constant 0 : i32
    %dma_wait3A_190 = arith.constant 0 : i32
    %dma_wait3A_191 = tpu.memref_slice %arg2[%dma_wait3A_189, %dma_wait3A_190] : memref<10000x64xi32, #tpu.memory_space<hbm>> -> memref<80x64xi32, #tpu.memory_space<hbm>>
    %dma_wait3A_192 = arith.constant 0 : i32
    %dma_wait3A_193 = arith.constant 0 : i32
    %dma_wait3A_194 = tpu.memref_slice %arg9[%dma_wait3A_184, %dma_wait3A_192, %dma_wait3A_193] : memref<5x80x64xi32, #tpu.memory_space<vmem>> -> memref<1x80x64xi32, #tpu.memory_space<vmem>>
    %dma_wait3A_195 = tpu.memref_squeeze %dma_wait3A_194 : memref<1x80x64xi32, #tpu.memory_space<vmem>> -> memref<80x64xi32, #tpu.memory_space<vmem>>
    %dma_wait3A_196 = arith.constant 0 : i32
    %dma_wait3A_197 = arith.constant 0 : i32
    %dma_wait3A_198 = tpu.memref_slice %arg2[%dma_wait3A_196, %dma_wait3A_197] : memref<10000x64xi32, #tpu.memory_space<hbm>> -> memref<80x64xi32, #tpu.memory_space<hbm>>
    tpu.wait_dma2 semaphore(%arg17 : memref<!tpu.dma_semaphore, #tpu.memory_space<semaphore_mem>>) src(%dma_wait3A_198 : memref<80x64xi32, #tpu.memory_space<hbm>>) dst(%dma_wait3A_195 : memref<80x64xi32, #tpu.memory_space<vmem>>)
    %dma_wait3A_199 = arith.constant 3 : i32
    %dma_wait3A_200 = arith.constant 0 : i32
    %dma_wait3A_201 = arith.constant 0 : i32
    %dma_wait3A_202 = tpu.memref_slice %arg8[%dma_wait3A_199, %dma_wait3A_200, %dma_wait3A_201] : memref<5x80x64xi32, #tpu.memory_space<vmem>> -> memref<1x80x64xi32, #tpu.memory_space<vmem>>
    %dma_wait3A_203 = tpu.memref_squeeze %dma_wait3A_202 : memref<1x80x64xi32, #tpu.memory_space<vmem>> -> memref<80x64xi32, #tpu.memory_space<vmem>>
    %dma_wait3A_204 = arith.constant 0 : i32
    %dma_wait3A_205 = arith.constant 0 : i32
    %dma_wait3A_206 = tpu.memref_slice %arg2[%dma_wait3A_204, %dma_wait3A_205] : memref<10000x64xi32, #tpu.memory_space<hbm>> -> memref<80x64xi32, #tpu.memory_space<hbm>>
    %dma_wait3A_207 = arith.constant 0 : i32
    %dma_wait3A_208 = arith.constant 0 : i32
    %dma_wait3A_209 = tpu.memref_slice %arg8[%dma_wait3A_199, %dma_wait3A_207, %dma_wait3A_208] : memref<5x80x64xi32, #tpu.memory_space<vmem>> -> memref<1x80x64xi32, #tpu.memory_space<vmem>>
    %dma_wait3A_210 = tpu.memref_squeeze %dma_wait3A_209 : memref<1x80x64xi32, #tpu.memory_space<vmem>> -> memref<80x64xi32, #tpu.memory_space<vmem>>
    %dma_wait3A_211 = arith.constant 0 : i32
    %dma_wait3A_212 = arith.constant 0 : i32
    %dma_wait3A_213 = tpu.memref_slice %arg2[%dma_wait3A_211, %dma_wait3A_212] : memref<10000x64xi32, #tpu.memory_space<hbm>> -> memref<80x64xi32, #tpu.memory_space<hbm>>
    tpu.wait_dma2 semaphore(%arg18 : memref<!tpu.dma_semaphore, #tpu.memory_space<semaphore_mem>>) src(%dma_wait3A_213 : memref<80x64xi32, #tpu.memory_space<hbm>>) dst(%dma_wait3A_210 : memref<80x64xi32, #tpu.memory_space<vmem>>)
    %dma_wait3A_214 = arith.constant 3 : i32
    %dma_wait3A_215 = arith.constant 0 : i32
    %dma_wait3A_216 = arith.constant 0 : i32
    %dma_wait3A_217 = tpu.memref_slice %arg9[%dma_wait3A_214, %dma_wait3A_215, %dma_wait3A_216] : memref<5x80x64xi32, #tpu.memory_space<vmem>> -> memref<1x80x64xi32, #tpu.memory_space<vmem>>
    %dma_wait3A_218 = tpu.memref_squeeze %dma_wait3A_217 : memref<1x80x64xi32, #tpu.memory_space<vmem>> -> memref<80x64xi32, #tpu.memory_space<vmem>>
    %dma_wait3A_219 = arith.constant 0 : i32
    %dma_wait3A_220 = arith.constant 0 : i32
    %dma_wait3A_221 = tpu.memref_slice %arg2[%dma_wait3A_219, %dma_wait3A_220] : memref<10000x64xi32, #tpu.memory_space<hbm>> -> memref<80x64xi32, #tpu.memory_space<hbm>>
    %dma_wait3A_222 = arith.constant 0 : i32
    %dma_wait3A_223 = arith.constant 0 : i32
    %dma_wait3A_224 = tpu.memref_slice %arg9[%dma_wait3A_214, %dma_wait3A_222, %dma_wait3A_223] : memref<5x80x64xi32, #tpu.memory_space<vmem>> -> memref<1x80x64xi32, #tpu.memory_space<vmem>>
    %dma_wait3A_225 = tpu.memref_squeeze %dma_wait3A_224 : memref<1x80x64xi32, #tpu.memory_space<vmem>> -> memref<80x64xi32, #tpu.memory_space<vmem>>
    %dma_wait3A_226 = arith.constant 0 : i32
    %dma_wait3A_227 = arith.constant 0 : i32
    %dma_wait3A_228 = tpu.memref_slice %arg2[%dma_wait3A_226, %dma_wait3A_227] : memref<10000x64xi32, #tpu.memory_space<hbm>> -> memref<80x64xi32, #tpu.memory_space<hbm>>
    tpu.wait_dma2 semaphore(%arg19 : memref<!tpu.dma_semaphore, #tpu.memory_space<semaphore_mem>>) src(%dma_wait3A_228 : memref<80x64xi32, #tpu.memory_space<hbm>>) dst(%dma_wait3A_225 : memref<80x64xi32, #tpu.memory_space<vmem>>)
    %dma_wait3A_229 = arith.constant 4 : i32
    %dma_wait3A_230 = arith.constant 0 : i32
    %dma_wait3A_231 = arith.constant 0 : i32
    %dma_wait3A_232 = tpu.memref_slice %arg8[%dma_wait3A_229, %dma_wait3A_230, %dma_wait3A_231] : memref<5x80x64xi32, #tpu.memory_space<vmem>> -> memref<1x80x64xi32, #tpu.memory_space<vmem>>
    %dma_wait3A_233 = tpu.memref_squeeze %dma_wait3A_232 : memref<1x80x64xi32, #tpu.memory_space<vmem>> -> memref<80x64xi32, #tpu.memory_space<vmem>>
    %dma_wait3A_234 = arith.constant 0 : i32
    %dma_wait3A_235 = arith.constant 0 : i32
    %dma_wait3A_236 = tpu.memref_slice %arg2[%dma_wait3A_234, %dma_wait3A_235] : memref<10000x64xi32, #tpu.memory_space<hbm>> -> memref<80x64xi32, #tpu.memory_space<hbm>>
    %dma_wait3A_237 = arith.constant 0 : i32
    %dma_wait3A_238 = arith.constant 0 : i32
    %dma_wait3A_239 = tpu.memref_slice %arg8[%dma_wait3A_229, %dma_wait3A_237, %dma_wait3A_238] : memref<5x80x64xi32, #tpu.memory_space<vmem>> -> memref<1x80x64xi32, #tpu.memory_space<vmem>>
    %dma_wait3A_240 = tpu.memref_squeeze %dma_wait3A_239 : memref<1x80x64xi32, #tpu.memory_space<vmem>> -> memref<80x64xi32, #tpu.memory_space<vmem>>
    %dma_wait3A_241 = arith.constant 0 : i32
    %dma_wait3A_242 = arith.constant 0 : i32
    %dma_wait3A_243 = tpu.memref_slice %arg2[%dma_wait3A_241, %dma_wait3A_242] : memref<10000x64xi32, #tpu.memory_space<hbm>> -> memref<80x64xi32, #tpu.memory_space<hbm>>
    tpu.wait_dma2 semaphore(%arg20 : memref<!tpu.dma_semaphore, #tpu.memory_space<semaphore_mem>>) src(%dma_wait3A_243 : memref<80x64xi32, #tpu.memory_space<hbm>>) dst(%dma_wait3A_240 : memref<80x64xi32, #tpu.memory_space<vmem>>)
    %dma_wait3A_244 = arith.constant 4 : i32
    %dma_wait3A_245 = arith.constant 0 : i32
    %dma_wait3A_246 = arith.constant 0 : i32
    %dma_wait3A_247 = tpu.memref_slice %arg9[%dma_wait3A_244, %dma_wait3A_245, %dma_wait3A_246] : memref<5x80x64xi32, #tpu.memory_space<vmem>> -> memref<1x80x64xi32, #tpu.memory_space<vmem>>
    %dma_wait3A_248 = tpu.memref_squeeze %dma_wait3A_247 : memref<1x80x64xi32, #tpu.memory_space<vmem>> -> memref<80x64xi32, #tpu.memory_space<vmem>>
    %dma_wait3A_249 = arith.constant 0 : i32
    %dma_wait3A_250 = arith.constant 0 : i32
    %dma_wait3A_251 = tpu.memref_slice %arg2[%dma_wait3A_249, %dma_wait3A_250] : memref<10000x64xi32, #tpu.memory_space<hbm>> -> memref<80x64xi32, #tpu.memory_space<hbm>>
    %dma_wait3A_252 = arith.constant 0 : i32
    %dma_wait3A_253 = arith.constant 0 : i32
    %dma_wait3A_254 = tpu.memref_slice %arg9[%dma_wait3A_244, %dma_wait3A_252, %dma_wait3A_253] : memref<5x80x64xi32, #tpu.memory_space<vmem>> -> memref<1x80x64xi32, #tpu.memory_space<vmem>>
    %dma_wait3A_255 = tpu.memref_squeeze %dma_wait3A_254 : memref<1x80x64xi32, #tpu.memory_space<vmem>> -> memref<80x64xi32, #tpu.memory_space<vmem>>
    %dma_wait3A_256 = arith.constant 0 : i32
    %dma_wait3A_257 = arith.constant 0 : i32
    %dma_wait3A_258 = tpu.memref_slice %arg2[%dma_wait3A_256, %dma_wait3A_257] : memref<10000x64xi32, #tpu.memory_space<hbm>> -> memref<80x64xi32, #tpu.memory_space<hbm>>
    tpu.wait_dma2 semaphore(%arg21 : memref<!tpu.dma_semaphore, #tpu.memory_space<semaphore_mem>>) src(%dma_wait3A_258 : memref<80x64xi32, #tpu.memory_space<hbm>>) dst(%dma_wait3A_255 : memref<80x64xi32, #tpu.memory_space<vmem>>)
    "tpu.region"() ({
      %run_scoped3A = tpu.sem_alloc : memref<!tpu.dma_semaphore, #tpu.memory_space<semaphore_mem>>
      %dma_start3A_259 = tpu.memref_slice %arg5[%mul3A_2] : memref<320000xf32, #tpu.memory_space<hbm>> -> memref<10000xf32, #tpu.memory_space<hbm>>
      %dma_start3A_260 = tpu.memref_slice %arg5[%mul3A_2] : memref<320000xf32, #tpu.memory_space<hbm>> -> memref<10000xf32, #tpu.memory_space<hbm>>
      tpu.enqueue_dma source(%arg10 : memref<10000xf32, #tpu.memory_space<vmem>>) target(%dma_start3A_260 : memref<10000xf32, #tpu.memory_space<hbm>>) target_semaphore(%run_scoped3A : memref<!tpu.dma_semaphore, #tpu.memory_space<semaphore_mem>>)
      %dma_wait3A_261 = tpu.memref_slice %arg5[%mul3A_2] : memref<320000xf32, #tpu.memory_space<hbm>> -> memref<10000xf32, #tpu.memory_space<hbm>>
      %dma_wait3A_262 = tpu.memref_slice %arg5[%mul3A_2] : memref<320000xf32, #tpu.memory_space<hbm>> -> memref<10000xf32, #tpu.memory_space<hbm>>
      tpu.wait_dma2 semaphore(%run_scoped3A : memref<!tpu.dma_semaphore, #tpu.memory_space<semaphore_mem>>) src(%arg10 : memref<10000xf32, #tpu.memory_space<vmem>>) dst(%dma_wait3A_262 : memref<10000xf32, #tpu.memory_space<hbm>>)
      tpu.yield
    }) : () -> ()
    return
  }
}

module attributes {stable_mosaic.version = 14 : i64} {
  func.func @_z2_body(%arg0: i32, %arg1: memref<1000x128xf32, #tpu.memory_space<vmem>>, %arg2: memref<1000x128xf32, #tpu.memory_space<vmem>>, %arg3: memref<1000x128xbf16, #tpu.memory_space<vmem>>) attributes {dimension_semantics = [#tpu.dimension_semantics<arbitrary>], iteration_bounds = array<i64: 10>, scalar_prefetch = 0 : i64, scratch_operands = 0 : i64, tpu.core_type = #tpu.core_type<tc>, window_params = [{transform_indices = @transform_0, window_bounds = array<i64: 1000, 128>}, {transform_indices = @transform_1, window_bounds = array<i64: 1000, 128>}, {transform_indices = @transform_2, window_bounds = array<i64: 1000, 128>}]} {
    %get3A = arith.constant 0 : index
    %get3A_0 = arith.constant 0 : index
    %get3A_1 = vector.load %arg1[%get3A, %get3A_0] : memref<1000x128xf32, #tpu.memory_space<vmem>>, vector<1000x128xf32>
    %get3A_2 = arith.constant 0 : index
    %get3A_3 = arith.constant 0 : index
    %get3A_4 = vector.load %arg2[%get3A_2, %get3A_3] : memref<1000x128xf32, #tpu.memory_space<vmem>>, vector<1000x128xf32>
    %mul3A = arith.mulf %get3A_1, %get3A_4 : vector<1000x128xf32>
    %convert_element_type3A = arith.truncf %mul3A : vector<1000x128xf32> to vector<1000x128xbf16>
    %swap3A = arith.constant 0 : index
    %swap3A_5 = arith.constant 0 : index
    %swap3A_6 = vector.load %arg3[%swap3A, %swap3A_5] : memref<1000x128xbf16, #tpu.memory_space<vmem>>, vector<1000x128xbf16>
    tpu.vector_store %arg3[%swap3A, %swap3A_5], %convert_element_type3A {strides = array<i32>} : memref<1000x128xbf16, #tpu.memory_space<vmem>>, vector<1000x128xbf16>,
    return
  }
  func.func @transform_0(%arg0: i32) -> (i32, i32) {
    %c0_i32 = arith.constant 0 : i32
    %c0_i32_0 = arith.constant 0 : i32
    return %arg0, %c0_i32 : i32, i32
  }
  func.func @transform_1(%arg0: i32) -> (i32, i32) {
    %c0_i32 = arith.constant 0 : i32
    %c0_i32_0 = arith.constant 0 : i32
    return %arg0, %c0_i32 : i32, i32
  }
  func.func @transform_2(%arg0: i32) -> (i32, i32) {
    %c0_i32 = arith.constant 0 : i32
    %c0_i32_0 = arith.constant 0 : i32
    return %arg0, %c0_i32 : i32, i32
  }
}

</mosaic_0001>

<sc_bundles>
// kernel: kernel.4.cloned.1.call-start
scs
__scs_entry_jumppad:
0x0: {  	(pc) =	sbr.rel $0x88, $3  }
0x1: {  	(tag) =	ssettag $0x0;
	lr =	simm.s32 $0x1  }
0x2: {  	[smem:$0x3F9E] =	sst lr;
	_ =	strace $0xD0000000  }
0x3: {  	_ = 	snop  }
0x4: {  	_ = 	snop  }
0x5: {  	_ = 	snop  }
0x6: {  	_ = 	snop  }
0x7: {  	_ = 	snop  }
__scs_overlays_trampoline_lowered:
0x8: {  	[smem:$0x3FAD] =	sst s0  }
0x9: {  	[smem:$0x3FAE] =	sst s1  }
0xa: {  	[smem:$0x3FAF] =	sst s2  }
0xb: {  	[smem:$0x3FB0] =	sst s3  }
0xc: {  	[smem:$0x3FB1] =	sst s4  }
0xd: {  	[smem:$0x3FB2] =	sst s5  }
0xe: {  	[smem:$0x3FB3] =	sst s6  }
0xf: {  	[smem:$0x3FB4] =	sst s7  }
0x10: {  	[smem:$0x3FB5] =	sst s8  }
0x11: {  	[smem:$0x3FB6] =	sst s9;
	s0 =	simm.s32 @!p0 $0x0  }
0x12: {  	s1 =	sld [smem:$0x3F9C];
	s0 =	simm.s32 @p0 $0x1  }
0x13: {  	[smem:$0x3FB7] =	sst s0;
	s0 =	simm.s32 @!p1 $0x0  }
0x14: {  	s2 =	sld [smem:$0x3F9B];
	s0 =	simm.s32 @p1 $0x1  }
0x15: {  	[smem:$0x3FB8] =	sst s0;
	s0 =	simm.s32 @!p2 $0x0  }
0x16: {  	s3 =	sld [smem:$0x3FDB];
	s0 =	simm.s32 @p2 $0x1  }
0x17: {  	s4 =	simm.s32 $0x1BF5;
	[smem:$0x3FBA] =	sst s0  }
0x18: {  	s0 =	sld [smem:$0x3F9D];
	_ =	swait.ge [sflag:s4], $0x0  }
0x19: {  	s7 =	sld [smem:$0x3F9E]  }
0x1a: {  	s8 =	sadd.s32 $0xFFFFE003, lr  }
0x1b: {  	s9 =	sadd.s32 $0xFFFFFEF7, lr;
	s5 =	simm.s32 $0xFFFFFFFF;
	p2 =	slt.u32 s8, $0xFFFFF086  }
0x1c: {  	p1 =	slt.u32 s9, $0xF7A;
	s5 =	simm.s32 @!p2 $0x0  }
0x1d: {  	s5 =	simm.s32 @p1 $0x1;
	p0 =	seq.s32 s7, s2  }
0x1e: {  	s7 =	smul.u32 @!p0 $0xF7A, s2;
	p2 =	seq.s32 @!p0 s5, $0x0  }
0x1f: {  	s9 =	smul.u32 $0xF7A, s1;
	s8 =	simm.s32 @!p0 $0x1BF5;
	p2 =	por !p2, p0  }
0x20: {  	[sflag:s8] =	ssyncset.s32 @!p0 $0xFFFFF086;
	s6 =	sadd.s32 @!p0 s3, s7;
	s7 =	simm.s32 @!p0 $0x108  }
0x21: {  	s3 =	sadd.s32 s3, s9;
	s6 =	sadd.s32 @!p0 $0x88, s6;
	s7 =	simm.s32 @p2 $0x1082  }
0x22: {  	[simem:s7], [sflag:s8] =	dma.local @!p0 [hbm:s6], $0xF7A  }
0x23: {  	s9 =	sor.u32 $0xD0000000, s2;
	s6 =	simm.s32 $0x108;
	_ =	swait.ge @!p0 [sflag:s8], $0x0  }
0x24: {  	s3 =	sadd.s32 $0x88, s3;
	s6 =	simm.s32 @!p1 $0x1082;
	[sflag:s4] =	ssyncset.s32 $0xFFFFF086  }
0x25: {  	[simem:s6], [sflag:s4] =	dma.local [hbm:s3], $0xF7A  }
0x26: {  	[smem:$0x3F9E] =	sst s1;
	(tag) =	ssettag s2;
	_ =	strace s9  }
0x27: {  	s1 =	sld [smem:$0x3FAE]  }
0x28: {  	s2 =	sld [smem:$0x3FAF]  }
0x29: {  	s4 =	sld [smem:$0x3FB1]  }
0x2a: {  	p0 =	seq.s32 s5, $0x0;
	s5 =	sld [smem:$0x3FB2]  }
0x2b: {  	s6 =	sld [smem:$0x3FB3]  }
0x2c: {  	s7 =	sld [smem:$0x3FB4]  }
0x2d: {  	s3 =	simm.s32 $0x108;
	s8 =	sld [smem:$0x3FB5]  }
0x2e: {  	s3 =	simm.s32 @!p0 $0x1082;
	s9 =	sld [smem:$0x3FB6]  }
0x2f: {  	lr =	sadd.s32 s0, s3;
	s0 =	sld [smem:$0x3FAD]  }
0x30: {  	s3 =	sld [smem:$0x3FB0]  }
0x31: {  	[smem:$0x3FB9] =	sst s10  }
0x32: {  	s10 =	sld [smem:$0x3FB7];
	_ =	sdelay $0x3  }
0x33: {  	p0 =	seq.s32 s10, $0x1;
	s10 =	sld [smem:$0x3FB9];
	_ =	sdelay $0x3  }
0x34: {  	[smem:$0x3FB9] =	sst s10  }
0x35: {  	s10 =	sld [smem:$0x3FB8];
	_ =	sdelay $0x3  }
0x36: {  	p1 =	seq.s32 s10, $0x1;
	s10 =	sld [smem:$0x3FB9];
	_ =	sdelay $0x3  }
0x37: {  	[smem:$0x3FB9] =	sst s10  }
0x38: {  	s10 =	sld [smem:$0x3FBA]  }
0x39: {  	_ = 	snop;
	(pc) =	sbr.ind lr, $3  }
0x3a: {  	_ = 	snop  }
0x3b: {  	_ = 	snop  }
0x3c: {  	p2 =	seq.s32 s10, $0x1;
	s10 =	sld [smem:$0x3FB9]  }
0x3d: {  	_ =	shalt  }
0x3e: {  	_ =	shalt  }
0x3f: {  	_ =	shalt  }
0x40: {  	_ =	shalt  }
0x41: {  	_ =	shalt  }
0x42: {  	_ =	shalt  }
0x43: {  	_ =	shalt  }
0x44: {  	_ =	shalt  }
0x45: {  	_ =	shalt  }
0x46: {  	_ =	shalt  }
0x47: {  	_ =	shalt  }
0x48: {  	_ =	shalt  }
0x49: {  	_ =	shalt  }
0x4a: {  	_ =	shalt  }
0x4b: {  	_ =	shalt  }
0x4c: {  	_ =	shalt  }
0x4d: {  	_ =	shalt  }
0x4e: {  	_ =	shalt  }
0x4f: {  	_ =	shalt  }
0x50: {  	_ =	shalt  }
0x51: {  	_ =	shalt  }
0x52: {  	_ =	shalt  }
0x53: {  	_ =	shalt  }
0x54: {  	_ =	shalt  }
0x55: {  	_ =	shalt  }
0x56: {  	_ =	shalt  }
0x57: {  	_ =	shalt  }
0x58: {  	_ =	shalt  }
0x59: {  	_ =	shalt  }
0x5a: {  	_ =	shalt  }
0x5b: {  	_ =	shalt  }
0x5c: {  	_ =	shalt  }
0x5d: {  	_ =	shalt  }
0x5e: {  	_ =	shalt  }
0x5f: {  	_ =	shalt  }
0x60: {  	_ =	shalt  }
0x61: {  	_ =	shalt  }
0x62: {  	_ =	shalt  }
0x63: {  	_ =	shalt  }
0x64: {  	_ =	shalt  }
0x65: {  	_ =	shalt  }
0x66: {  	_ =	shalt  }
0x67: {  	_ =	shalt  }
0x68: {  	_ =	shalt  }
0x69: {  	_ =	shalt  }
0x6a: {  	_ =	shalt  }
0x6b: {  	_ =	shalt  }
0x6c: {  	_ =	shalt  }
0x6d: {  	_ =	shalt  }
0x6e: {  	_ =	shalt  }
0x6f: {  	_ =	shalt  }
0x70: {  	_ =	shalt  }
0x71: {  	_ =	shalt  }
0x72: {  	_ =	shalt  }
0x73: {  	_ =	shalt  }
0x74: {  	_ =	shalt  }
0x75: {  	_ =	shalt  }
0x76: {  	_ =	shalt  }
0x77: {  	_ =	shalt  }
0x78: {  	_ =	shalt  }
0x79: {  	_ =	shalt  }
0x7a: {  	_ =	shalt  }
0x7b: {  	_ =	shalt  }
0x7c: {  	_ =	shalt  }
0x7d: {  	_ =	shalt  }
0x7e: {  	_ =	shalt  }
0x7f: {  	_ =	shalt  }
0x80: {  	_ =	shalt  }
0x81: {  	_ =	shalt  }
0x82: {  	_ =	shalt  }
0x83: {  	_ =	shalt  }
0x84: {  	_ =	shalt  }
0x85: {  	_ =	shalt  }
0x86: {  	_ =	shalt  }
0x87: {  	_ =	shalt  }
.Lfunc_end0:
.L_simem_size_0:
called_computation_lowered:
.L_overlay_start_0:
0x88: {  	s2 =	sld [smem:$0x3FD9]  }
0x89: {  	s3 =	sld [smem:$0x3FFE];
	_ =	sdelay $0x1  }
0x8a: {  	s1 =	srdreg.scid  }
0x8b: {  	s0 =	sand.u32 $0x1, s1  }
0x8c: {  	s17 =	sshll.u32 s0, $0xA;
	s2 =	sadd.s32 s3, s2  }
0x8d: {  	s2 =	sadd.s32 s2, s17  }
0x8e: {  	[smem:$0x3FC5] =	sst s2  }
0x8f: {  	_ = 	snop  }
0x90: {  	s2 =	sld [smem:$0x3FD0];
	(tm) =	ssettm $0x1  }
0x91: {  	s18 =	sld [smem:$0x3FFB];
	_ =	sdelay $0x3  }
0x92: {  	_ =	strace s18  }
0x93: {  	s3 =	sld [smem:$0x3FFC];
	_ =	sdelay $0x3  }
0x94: {  	_ =	strace s3  }
0x95: {  	s3 =	sld [smem:$0x3FFD];
	_ =	sdelay $0x3  }
0x96: {  	_ =	strace s3  }
0x97: {  	_ =	strace $0x8FFFFFFF  }
0x98: {  	s19 =	sld [smem:$0x3FDB];
	_ =	sdelay $0x1  }
0x99: {  	s4 =	simm.s32 $_scs_section_size  }
0x9a: {  	s5 =	simm.s32 $_size__tile_overlayer_lowered;
	s6 =	simm.s32 $_tile_overlayer_lowered  }
0x9b: {  	s22 =	simm.s32 $0x1BFF;
	s21 =	sshll.u32 s6, $0x1;
	s3 =	sadd.s32 s4, s19  }
0x9c: {  	s7 =	simm.s32 $0x0;
	s20 =	sshll.u32 s5, $0x1;
	s5 =	sadd.s32 s21, s3  }
0x9d: {  	[timem:s7], [sflag:s22] =	dma.local [hbm:s5], s20  }
0x9e: {  	_ =	swait.ge [sflag:s22], s20  }
0x9f: {  	s4 =	ssub.s32 $0x0, s20;
	[sflag:s22] =	ssyncset.done $0x0  }
0xa0: {  	[sflag:s22] =	ssyncadd.s32 s4;
	_ =	sdelay $0x1  }
0xa1: {  	s23 =	simm.s32 $0x1B8B  }
0xa2: {  	_ =	swait.ge [sflag:s23], $0x1  }
0xa3: {  	[sflag:s23] =	ssyncset.done $0x0  }
0xa4: {  	s25 =	simm.s32 $0x1B8E;
	s24 =	sld [smem:$0x3FFE];
	[sflag:s23] =	ssyncadd.s32 $0xFFFFFFFF  }
0xa5: {  	s26 =	simm.s32 $execute0_lowered;
	[smem:$0x3FD2] =	sst s25  }
0xa6: {  	s5 =	sshll.u32 s26, $0x1;
	_ =	strace $0x80000046;
	[dreg:$0x1] =	wrdreg $0xFFFFFFFF  }
0xa7: {  	s28 =	simm.s32 $_size_execute0_lowered;
	s3 =	sadd.s32 s3, s5;
	[dreg:$0x0] =	wrdreg $0x0  }
0xa8: {  	s5 =	sshll.u32 s28, $0x1;
	[dreg:$0x2] =	wrdreg s3  }
0xa9: {  	[dreg:$0x3] =	wrdreg s5  }
0xaa: {  	[dreg:$0x4] =	wrdreg $0xC0  }
0xab: {  	_ =	task [dreg:s7], $0x5FFFF  }
0xac: {  	[dreg:$0x1] =	wrdreg $0xFFFFFFFF  }
0xad: {  	[dreg:$0x0] =	wrdreg $0x60  }
0xae: {  	[dreg:$0x2] =	wrdreg s24  }
0xaf: {  	[dreg:$0x3] =	wrdreg s2  }
0xb0: {  	[dreg:$0x4] =	wrdreg $0x9  }
0xb1: {  	_ =	task.clear_ibuf [dreg:s7], $0x5FFFF;
	_ =	strace $0x90000046  }
0xb2: {  	s29 =	simm.s32 $0x9;
	_ =	strace $0x80000048  }
0xb3: {  	_ =	swait.ge [sflag:s29], $0x1  }
0xb4: {  	[sflag:s29] =	ssyncadd.s32 $0xFFFFFFFF  }
0xb5: {  	_ =	strace $0x90000048  }
0xb6: {  	_ =	sfence  }
0xb7: {  	s30 =	sld [smem:$0x0];
	_ =	sdelay $0x2  }
0xb8: {  	s31 =	sshll.u32 s1, $0xD;
	s1 =	sshrl.u32 s1, $0x2  }
0xb9: {  	s3 =	sand.u32 $0x4000, s31;
	s1 =	sadd.s32 s1, s30  }
0xba: {  	s0 =	sor.u32 s3, s0;
	s1 =	sshll.u32 s1, $0x11  }
0xbb: {  	s0 =	sor.u32 s1, s0  }
0xbc: {  	s0 =	sadd.s32 $0x8F2B, s0  }
0xbd: {  	[sflag:s0] =	ssyncadd.remote.s32 $0x1  }
0xbe: {  	_ =	sfence.sel $0xFFFF  }
0xbf: {  	[dreg:$0x0] =	wrdreg $0xFFFFFFFF;
	(pc) =	sbr.abs _section_cstart, $3  }
0xc0: {  	[dreg:$0x1] =	wrdreg $0xFFFFFFFF  }
0xc1: {  	_ =	task.clear_ibuf [dreg:s7], $0x2FFFF;
	_ =	strace $0x9FFFFFFF  }
0xc2: {  	(tm) =	ssettm $0x7FFFFFFF  }
0xc3: {  	_ =	shalt  }
tec
execute0_lowered:
.L_overlay_start_1:
0x0: {  	(tag) =	ssettag $0x1  }
0x1: {  	s2 =	rddreg [dreg:$0x0];
	s0 =	srdreg.scid  }
0x2: {  	s3 =	stileid.u32;
	s1 =	rddreg [dreg:$0x1]  }
0x3: {  	s8 =	simm.s32 $0xB;
	s10 =	simm.s32 $0x50;
	s11 =	simm.s32 $0x4E20  }
0x4: {  	s12 =	simm.s32 $0xB220;
	s13 =	simm.s32 $0x6220;
	s15 =	simm.s32 $0xC620  }
0x5: {  	s17 =	simm.s32 $0x7620;
	s19 =	simm.s32 $0xDA20;
	s21 =	simm.s32 $0x8A20  }
0x6: {  	s23 =	simm.s32 $0xEE20;
	s25 =	simm.s32 $0x9E20;
	s28 =	simm.s32 $0x10220  }
0x7: {  	s29 =	simm.s32 $0x1;
	s30 =	simm.s32 $0x2;
	s31 =	simm.s32 $0x3  }
0x8: {  	s14 =	simm.s32 $0x6;
	s16 =	simm.s32 $0x7;
	s18 =	simm.s32 $0x8  }
0x9: {  	s20 =	simm.s32 $0x9;
	s0 =	sand.u32 $0x1, s0;
	s3 =	sshll.u32 s3, $0x1  }
0xa: {  	s4 =	sor.u32 s0, s3;
	s3 =	simm.s32 $0x0;
	s0 =	ssub.s32 $0x2, s0  }
0xb: {  	s4 =	smul.u32 $0x4E2, s4;
	[smem:$0x7FF] =	sst s3;
	s5 =	sshrl.u32 s0, $0x1  }
0xc: {  	s22 =	simm.s32 $0xA;
	_ =	strace $0x80000047;
	s0 =	ssub.s32 s0, s5  }
0xd: {  	s6 =	sadd.s32 s4, s2;
	s7 =	smax.u32 s0, $0x1;
	s0 =	simm.s32 $0x5  }
0xe: {  	s26 =	sadd.s32 $0x1D800, s6;
	s5 =	sadd.s32 $0x13A00, s6;
	s6 =	sadd.s32 s1, s4  }
0xf: {  	s1 =	simm.s32 $0x4;
	[dreg:$0x3] =	wrdreg s26;
	s26 =	simm.s32 $0x0  }
.LBB2_1:
0x10: {  	s4 =	rddreg [dreg:$0x3]  }
0x11: {  	[tilespmem:s3], [sflag:$0xB] =	stream.linear.gather [hbm4b:s4+s3], $0x2710, $0x38;
	[tilespmem:$0x13D30] =	vst v63  }
0x12: {  	_ =	swait.ge [sflag:s8], $0x2710  }
0x13: {  	[sflag:s8] =	ssyncset.done $0x0  }
0x14: {  	s24 =	simm.s32 $0x2710;
	[sflag:s8] =	ssyncadd.s32 $0xFFFFD8F0  }
0x15: {  	[tilespmem:s24], [sflag:$0xB] =	stream.linear.gather [hbm4b:s5+s3], $0x2710, $0x38;
	[tilespmem:$0x13D30] =	vst v63  }
0x16: {  	_ =	swait.ge [sflag:s8], $0x2710  }
0x17: {  	[sflag:s8] =	ssyncset.done $0x0  }
0x18: {  	[sflag:s8] =	ssyncadd.s32 $0xFFFFD8F0  }
0x19: {  	[tilespmem:s11], [sflag:$0x1] =	stream.indirect.gather [hbm4b:s2+s10], $0x40, s3, s10, $0xb8;
	[tilespmem:$0x13D30] =	vst v63  }
0x1a: {  	_ = 	snop  }
0x1b: {  	[tilespmem:s12], [sflag:$0x2] =	stream.indirect.gather [hbm4b:s2+s10], $0x40, s24, s10, $0xb8;
	[tilespmem:$0x13D30] =	vst v63  }
0x1c: {  	_ = 	snop  }
0x1d: {  	[tilespmem:s13], [sflag:$0x3] =	stream.indirect.gather [hbm4b:s2+s10], $0x40, s10, s10, $0xb8;
	[tilespmem:$0x13D30] =	vst v63  }
0x1e: {  	s9 =	simm.s32 $0x2760  }
0x1f: {  	[tilespmem:s15], [sflag:$0x4] =	stream.indirect.gather [hbm4b:s2+s10], $0x40, s9, s10, $0xb8;
	[tilespmem:$0x13D30] =	vst v63  }
0x20: {  	s24 =	simm.s32 $0xA0  }
0x21: {  	[tilespmem:s17], [sflag:$0x5] =	stream.indirect.gather [hbm4b:s2+s10], $0x40, s24, s10, $0xb8;
	[tilespmem:$0x13D30] =	vst v63  }
0x22: {  	s9 =	simm.s32 $0x27B0  }
0x23: {  	[tilespmem:s19], [sflag:$0x6] =	stream.indirect.gather [hbm4b:s2+s10], $0x40, s9, s10, $0xb8;
	[tilespmem:$0x13D30] =	vst v63  }
0x24: {  	s24 =	simm.s32 $0xF0  }
0x25: {  	[tilespmem:s21], [sflag:$0x7] =	stream.indirect.gather [hbm4b:s2+s10], $0x40, s24, s10, $0xb8;
	[tilespmem:$0x13D30] =	vst v63  }
0x26: {  	s9 =	simm.s32 $0x2800  }
0x27: {  	[tilespmem:s23], [sflag:$0x8] =	stream.indirect.gather [hbm4b:s2+s10], $0x40, s9, s10, $0xb8;
	[tilespmem:$0x13D30] =	vst v63  }
0x28: {  	s24 =	simm.s32 $0x140  }
0x29: {  	[tilespmem:s25], [sflag:$0x9] =	stream.indirect.gather [hbm4b:s2+s10], $0x40, s24, s10, $0xb8;
	[tilespmem:$0x13D30] =	vst v63  }
0x2a: {  	s9 =	simm.s32 $0x2850  }
0x2b: {  	[tilespmem:s28], [sflag:$0xA] =	stream.indirect.gather [hbm4b:s2+s10], $0x40, s9, s10, $0xb8;
	[tilespmem:$0x13D30] =	vst v63  }
0x2c: {  	_ =	swait.ge [sflag:s29], $0x1400  }
0x2d: {  	[sflag:s29] =	ssyncset.done $0x0  }
0x2e: {  	[sflag:s29] =	ssyncadd.s32 $0xFFFFEC00  }
0x2f: {  	_ =	swait.ge [sflag:s30], $0x1400  }
0x30: {  	[sflag:s30] =	ssyncset.done $0x0  }
0x31: {  	s24 =	simm.s32 $0x190;
	[sflag:s30] =	ssyncadd.s32 $0xFFFFEC00  }
0x32: {  	[tilespmem:s11], [sflag:$0x1] =	stream.indirect.gather [hbm4b:s2+s10], $0x40, s24, s10, $0xb8;
	[tilespmem:$0x13D30] =	vst v63  }
0x33: {  	s9 =	simm.s32 $0x28A0  }
0x34: {  	[tilespmem:s12], [sflag:$0x2] =	stream.indirect.gather [hbm4b:s2+s10], $0x40, s9, s10, $0xb8;
	[tilespmem:$0x13D30] =	vst v63  }
0x35: {  	_ =	swait.ge [sflag:s31], $0x1400  }
0x36: {  	[sflag:s31] =	ssyncset.done $0x0  }
0x37: {  	[sflag:s31] =	ssyncadd.s32 $0xFFFFEC00  }
0x38: {  	_ =	swait.ge [sflag:s1], $0x1400  }
0x39: {  	[sflag:s1] =	ssyncset.done $0x0  }
0x3a: {  	s24 =	simm.s32 $0x1E0;
	[sflag:s1] =	ssyncadd.s32 $0xFFFFEC00  }
0x3b: {  	[tilespmem:s13], [sflag:$0x3] =	stream.indirect.gather [hbm4b:s2+s10], $0x40, s24, s10, $0xb8;
	[tilespmem:$0x13D30] =	vst v63  }
0x3c: {  	s9 =	simm.s32 $0x28F0  }
0x3d: {  	[tilespmem:s15], [sflag:$0x4] =	stream.indirect.gather [hbm4b:s2+s10], $0x40, s9, s10, $0xb8;
	[tilespmem:$0x13D30] =	vst v63  }
0x3e: {  	_ =	swait.ge [sflag:s0], $0x1400  }
0x3f: {  	[sflag:s0] =	ssyncset.done $0x0  }
0x40: {  	[sflag:s0] =	ssyncadd.s32 $0xFFFFEC00  }
0x41: {  	_ =	swait.ge [sflag:s14], $0x1400  }
0x42: {  	[sflag:s14] =	ssyncset.done $0x0  }
0x43: {  	s24 =	simm.s32 $0x230;
	[sflag:s14] =	ssyncadd.s32 $0xFFFFEC00  }
0x44: {  	[tilespmem:s17], [sflag:$0x5] =	stream.indirect.gather [hbm4b:s2+s10], $0x40, s24, s10, $0xb8;
	[tilespmem:$0x13D30] =	vst v63  }
0x45: {  	s9 =	simm.s32 $0x2940  }
0x46: {  	[tilespmem:s19], [sflag:$0x6] =	stream.indirect.gather [hbm4b:s2+s10], $0x40, s9, s10, $0xb8;
	[tilespmem:$0x13D30] =	vst v63  }
0x47: {  	_ =	swait.ge [sflag:s16], $0x1400  }
0x48: {  	[sflag:s16] =	ssyncset.done $0x0  }
0x49: {  	[sflag:s16] =	ssyncadd.s32 $0xFFFFEC00  }
0x4a: {  	_ =	swait.ge [sflag:s18], $0x1400  }
0x4b: {  	[sflag:s18] =	ssyncset.done $0x0  }
0x4c: {  	s24 =	simm.s32 $0x280;
	[sflag:s18] =	ssyncadd.s32 $0xFFFFEC00  }
0x4d: {  	[tilespmem:s21], [sflag:$0x7] =	stream.indirect.gather [hbm4b:s2+s10], $0x40, s24, s10, $0xb8;
	[tilespmem:$0x13D30] =	vst v63  }
0x4e: {  	s9 =	simm.s32 $0x2990  }
0x4f: {  	[tilespmem:s23], [sflag:$0x8] =	stream.indirect.gather [hbm4b:s2+s10], $0x40, s9, s10, $0xb8;
	[tilespmem:$0x13D30] =	vst v63  }
0x50: {  	_ =	swait.ge [sflag:s20], $0x1400  }
0x51: {  	[sflag:s20] =	ssyncset.done $0x0  }
0x52: {  	[sflag:s20] =	ssyncadd.s32 $0xFFFFEC00  }
0x53: {  	_ =	swait.ge [sflag:s22], $0x1400  }
0x54: {  	[sflag:s22] =	ssyncset.done $0x0  }
0x55: {  	s24 =	simm.s32 $0x2D0;
	[sflag:s22] =	ssyncadd.s32 $0xFFFFEC00  }
0x56: {  	[tilespmem:s25], [sflag:$0x9] =	stream.indirect.gather [hbm4b:s2+s10], $0x40, s24, s10, $0xb8;
	[tilespmem:$0x13D30] =	vst v63  }
0x57: {  	s4 =	simm.s32 $0x29E0;
	s24 =	simm.s32 $0x640  }
.LBB2_2:
0x58: {  	[tilespmem:s28], [sflag:$0xA] =	stream.indirect.gather [hbm4b:s2+s10], $0x40, s4, s10, $0xb8;
	[tilespmem:$0x13D30] =	vst v63  }
0x59: {  	s4 =	smov.u32 s24  }
0x5a: {  	p0 =	sne.s32 s24, $0x8FC0;
	s24 =	sadd.s32 $0x640, s24;
	_ =	swait.ge [sflag:s29], $0x1400  }
0x5b: {  	[sflag:s29] =	ssyncset.done $0x0  }
0x5c: {  	[sflag:s29] =	ssyncadd.s32 $0xFFFFEC00  }
0x5d: {  	_ =	swait.ge [sflag:s30], $0x1400  }
0x5e: {  	s4 =	sshra.s32 s4, $0x2;
	[sflag:s30] =	ssyncset.done $0x0  }
0x5f: {  	s9 =	sadd.s32 $0x190, s4;
	[sflag:s30] =	ssyncadd.s32 $0xFFFFEC00  }
0x60: {  	[tilespmem:s11], [sflag:$0x1] =	stream.indirect.gather [hbm4b:s2+s10], $0x40, s9, s10, $0xb8;
	[tilespmem:$0x13D30] =	vst v63  }
0x61: {  	s9 =	sadd.s32 $0x28A0, s4  }
0x62: {  	[tilespmem:s12], [sflag:$0x2] =	stream.indirect.gather [hbm4b:s2+s10], $0x40, s9, s10, $0xb8;
	[tilespmem:$0x13D30] =	vst v63  }
0x63: {  	_ =	swait.ge [sflag:s31], $0x1400  }
0x64: {  	[sflag:s31] =	ssyncset.done $0x0  }
0x65: {  	[sflag:s31] =	ssyncadd.s32 $0xFFFFEC00  }
0x66: {  	_ =	swait.ge [sflag:s1], $0x1400  }
0x67: {  	[sflag:s1] =	ssyncset.done $0x0  }
0x68: {  	s9 =	sadd.s32 $0x1E0, s4;
	[sflag:s1] =	ssyncadd.s32 $0xFFFFEC00  }
0x69: {  	[tilespmem:s13], [sflag:$0x3] =	stream.indirect.gather [hbm4b:s2+s10], $0x40, s9, s10, $0xb8;
	[tilespmem:$0x13D30] =	vst v63  }
0x6a: {  	s9 =	sadd.s32 $0x28F0, s4  }
0x6b: {  	[tilespmem:s15], [sflag:$0x4] =	stream.indirect.gather [hbm4b:s2+s10], $0x40, s9, s10, $0xb8;
	[tilespmem:$0x13D30] =	vst v63  }
0x6c: {  	_ =	swait.ge [sflag:s0], $0x1400  }
0x6d: {  	[sflag:s0] =	ssyncset.done $0x0  }
0x6e: {  	[sflag:s0] =	ssyncadd.s32 $0xFFFFEC00  }
0x6f: {  	_ =	swait.ge [sflag:s14], $0x1400  }
0x70: {  	[sflag:s14] =	ssyncset.done $0x0  }
0x71: {  	s9 =	sadd.s32 $0x230, s4;
	[sflag:s14] =	ssyncadd.s32 $0xFFFFEC00  }
0x72: {  	[tilespmem:s17], [sflag:$0x5] =	stream.indirect.gather [hbm4b:s2+s10], $0x40, s9, s10, $0xb8;
	[tilespmem:$0x13D30] =	vst v63  }
0x73: {  	s9 =	sadd.s32 $0x2940, s4  }
0x74: {  	[tilespmem:s19], [sflag:$0x6] =	stream.indirect.gather [hbm4b:s2+s10], $0x40, s9, s10, $0xb8;
	[tilespmem:$0x13D30] =	vst v63  }
0x75: {  	_ =	swait.ge [sflag:s16], $0x1400  }
0x76: {  	[sflag:s16] =	ssyncset.done $0x0  }
0x77: {  	[sflag:s16] =	ssyncadd.s32 $0xFFFFEC00  }
0x78: {  	_ =	swait.ge [sflag:s18], $0x1400  }
0x79: {  	[sflag:s18] =	ssyncset.done $0x0  }
0x7a: {  	s9 =	sadd.s32 $0x280, s4;
	[sflag:s18] =	ssyncadd.s32 $0xFFFFEC00  }
0x7b: {  	[tilespmem:s21], [sflag:$0x7] =	stream.indirect.gather [hbm4b:s2+s10], $0x40, s9, s10, $0xb8;
	[tilespmem:$0x13D30] =	vst v63  }
0x7c: {  	s9 =	sadd.s32 $0x2990, s4  }
0x7d: {  	[tilespmem:s23], [sflag:$0x8] =	stream.indirect.gather [hbm4b:s2+s10], $0x40, s9, s10, $0xb8;
	[tilespmem:$0x13D30] =	vst v63  }
0x7e: {  	_ =	swait.ge [sflag:s20], $0x1400  }
0x7f: {  	[sflag:s20] =	ssyncset.done $0x0  }
0x80: {  	[sflag:s20] =	ssyncadd.s32 $0xFFFFEC00  }
.Ltmp0:
0x81: {  	_ =	swait.ge [sflag:s22], $0x1400;
	(pc) =	sbr.rel @p0 .LBB2_2-.Ltmp0, $4  }
0x82: {  	[sflag:s22] =	ssyncset.done $0x0  }
0x83: {  	s9 =	sadd.s32 $0x2D0, s4;
	[sflag:s22] =	ssyncadd.s32 $0xFFFFEC00  }
0x84: {  	[tilespmem:s25], [sflag:$0x9] =	stream.indirect.gather [hbm4b:s2+s10], $0x40, s9, s10, $0xb8;
	[tilespmem:$0x13D30] =	vst v63  }
0x85: {  	s4 =	sadd.s32 $0x29E0, s4  }
0x86: {  	[tilespmem:s28], [sflag:$0xA] =	stream.indirect.gather [hbm4b:s2+s10], $0x40, s4, s10, $0xb8;
	[tilespmem:$0x13D30] =	vst v63  }
0x87: {  	_ =	swait.ge [sflag:s29], $0x1400  }
0x88: {  	[sflag:s29] =	ssyncset.done $0x0  }
0x89: {  	[sflag:s29] =	ssyncadd.s32 $0xFFFFEC00  }
0x8a: {  	_ =	swait.ge [sflag:s30], $0x1400  }
0x8b: {  	[sflag:s30] =	ssyncset.done $0x0  }
0x8c: {  	[sflag:s30] =	ssyncadd.s32 $0xFFFFEC00  }
0x8d: {  	_ =	swait.ge [sflag:s31], $0x1400  }
0x8e: {  	[sflag:s31] =	ssyncset.done $0x0  }
0x8f: {  	[sflag:s31] =	ssyncadd.s32 $0xFFFFEC00  }
0x90: {  	_ =	swait.ge [sflag:s1], $0x1400  }
0x91: {  	[sflag:s1] =	ssyncset.done $0x0  }
0x92: {  	[sflag:s1] =	ssyncadd.s32 $0xFFFFEC00  }
0x93: {  	_ =	swait.ge [sflag:s0], $0x1400  }
0x94: {  	[sflag:s0] =	ssyncset.done $0x0  }
0x95: {  	[sflag:s0] =	ssyncadd.s32 $0xFFFFEC00  }
0x96: {  	_ =	swait.ge [sflag:s14], $0x1400  }
0x97: {  	[sflag:s14] =	ssyncset.done $0x0  }
0x98: {  	[sflag:s14] =	ssyncadd.s32 $0xFFFFEC00  }
0x99: {  	_ =	swait.ge [sflag:s16], $0x1400  }
0x9a: {  	[sflag:s16] =	ssyncset.done $0x0  }
0x9b: {  	[sflag:s16] =	ssyncadd.s32 $0xFFFFEC00  }
0x9c: {  	_ =	swait.ge [sflag:s18], $0x1400  }
0x9d: {  	[sflag:s18] =	ssyncset.done $0x0  }
0x9e: {  	[sflag:s18] =	ssyncadd.s32 $0xFFFFEC00  }
0x9f: {  	_ =	swait.ge [sflag:s20], $0x1400  }
0xa0: {  	[sflag:s20] =	ssyncset.done $0x0  }
0xa1: {  	[sflag:s20] =	ssyncadd.s32 $0xFFFFEC00  }
0xa2: {  	s26 =	sadd.s32 $0x1, s26;
	_ =	swait.ge [sflag:s22], $0x1400  }
0xa3: {  	p0 =	sne.s32 s26, s7;
	[sflag:s22] =	ssyncset.done $0x0  }
.Ltmp1:
0xa4: {  	s24 =	simm.s32 $0x11620;
	[sflag:s22] =	ssyncadd.s32 $0xFFFFEC00;
	(pc) =	sbr.rel @p0 .LBB2_1-.Ltmp1, $4  }
0xa5: {  	[hbm4b:s6+s3] =	stream.linear.scatter [tilespmem:s24], [sflag:$0xB], $0x2710, $0x38;
	[tilespmem:$0x13D30] =	vst v63  }
0xa6: {  	_ =	swait.ge [sflag:s8], $0x2710  }
0xa7: {  	[sflag:s8] =	ssyncset.done $0x0  }
0xa8: {  	[sflag:s8] =	ssyncadd.s32 $0xFFFFD8F0  }
0xa9: {  	_ =	sfence.sel $0x180000  }
0xaa: {  	[bflag:$0x0] =	sbarrier.arrive $0xFFFF  }
0xab: {  	_ =	strace $0x90000047  }
0xac: {  	s0 =	stileid.u32;
	[bflag:$0x2] =	sbarrier.arrive $0xFFFF  }
0xad: {  	p0 =	sne.s32 s0, $0x0;
	s0 =	rddreg [dreg:$0x2]  }
0xae: {  	s0 =	sadd.s32 @!p0 $0x100000, s0  }
0xaf: {  	[sflag:s0] =	ssyncadd.tile.s32 @!p0 $0x1;
	_ =	shalt  }
.Lfunc_end2:
_tile_overlayer_lowered:
.L_overlay_start_2:
0xb0: {  	(tag) =	ssettag $0x2  }
0xb1: {  	s0 =	rddreg [dreg:$0x0];
	s2 =	stileid.u32  }
0xb2: {  	s1 =	rddreg [dreg:$0x1];
	p0 =	sne.s32 s2, $0x0  }
0xb3: {  	s3 =	rddreg [dreg:$0x2];
	[bflag:$0x3] =	sbarrier.arrive $0xFFFF;
	s2 =	simm.s32 @!p0 $0x1C0B  }
0xb4: {  	[timem:s3], [sflag:s2] =	dma.local @!p0 [hbm:s0], s1  }
0xb5: {  	s0 =	simm.s32 @!p0 $0xB  }
0xb6: {  	_ =	swait.ge @!p0 [sflag:s0], s1  }
0xb7: {  	s1 =	ssub.s32 @!p0 $0x0, s1;
	[sflag:s0] =	ssyncset.done @!p0 $0x0  }
0xb8: {  	[sflag:s0] =	ssyncadd.s32 @!p0 s1  }
0xb9: {  	[bflag:$0x3] =	sbarrier.arrive $0xFFFF  }
0xba: {  	_ =	shalt  }

</sc_bundles>
